<compile_context>
chip_gen: v7x
topology: tpu7x:2x2x1
jax: 0.10.2.dev20260603
libtpu: 0.0.44.dev20260713+nightly
codegen_flags: <defaults>
</compile_context>

<pallas_src>
import functools

import jax
import jax.numpy as jnp
from jax import lax
from jax.experimental import pallas as pl
from jax.experimental.pallas import tpu as pltpu
from jax.experimental.pallas import tpu_sc as plsc

N = 10000
NPAD = 10240
NC, NS = 2, 16
RPT = NPAD // NS
CHUNK = 128
GRP = 4
AGRP = 2
D_IN, D_HID, D_OUT = 256, 256, 128
H1 = D_HID // NC
W128 = 128
DEGW = 16
RB = 1000

_mesh = functools.partial(
    plsc.VectorSubcoreMesh, core_axis_name="c", subcore_axis_name="s",
    num_cores=NC, num_subcores=NS)


def _deg_body(ngrp, dst_hbm, ones_hbm, zeros_hbm, deg_out,
              *scr):
  acc = scr[0]
  idxd = list(scr[1:1 + GRP])
  ones_v = scr[1 + GRP]
  isem, ssem = scr[2 + GRP:]
  c = lax.axis_index("c")
  s = lax.axis_index("s")
  pltpu.sync_copy(zeros_hbm, acc.at[pl.ds(s * RPT, RPT)])
  pltpu.sync_copy(ones_hbm, ones_v)
  plsc.subcore_barrier()
  base = (c * NS + s) * ngrp * GRP

  def step(k, carry):
    q = (base + k * GRP) * CHUNK
    ld = [pltpu.async_copy(dst_hbm.at[pl.ds(q + j * CHUNK, CHUNK)],
                           idxd[j], isem) for j in range(GRP)]
    st = []
    for j in range(GRP):
      ld[j].wait()
      st.append(pltpu.async_copy(ones_v, acc.at[idxd[j]], ssem, add=True))
    for d in st:
      d.wait()
    return carry

  lax.fori_loop(0, ngrp, step, 0)
  plsc.subcore_barrier()
  pltpu.sync_copy(acc.at[pl.ds(s * RPT, RPT)],
                  deg_out.at[c, pl.ds(s * RPT, RPT)])


def _deg_kernel(dst_pad, ones, zeros):
  ngrp = dst_pad.shape[0] // (NC * NS * CHUNK * GRP)
  return pl.kernel(
      functools.partial(_deg_body, ngrp),
      out_type=jax.ShapeDtypeStruct((NC, NPAD, W128), jnp.float32),
      mesh=_mesh(),
      scratch_types=(
          [pltpu.VMEM_SHARED((NPAD, W128), jnp.float32)]
          + [pltpu.VMEM((CHUNK,), jnp.int32) for _ in range(GRP)]
          + [pltpu.VMEM((CHUNK, W128), jnp.float32)]
          + [pltpu.SemaphoreType.DMA] * 2),
  )(dst_pad, ones, zeros)


def _agg_pipeline(nchunks, base, src_off, g_hbm, src_hbm, dst_hbm,
                  acc, idxs, idxd, rows, isem, gsem, ssem):
  def idx_issue(g, p):
    q = (base + g) * CHUNK
    pltpu.async_copy(src_hbm.at[pl.ds(src_off + q, CHUNK)], idxs[p], isem)
    pltpu.async_copy(dst_hbm.at[pl.ds(q, CHUNK)], idxd[p], isem)

  def idx_wait(p):
    pltpu.make_async_copy(src_hbm.at[pl.ds(0, CHUNK)], idxs[p], isem).wait()
    pltpu.make_async_copy(dst_hbm.at[pl.ds(0, CHUNK)], idxd[p], isem).wait()

  def gather_issue(p):
    pltpu.async_copy(g_hbm.at[idxs[p]], rows[p], gsem)

  def gather_wait(p):
    pltpu.make_async_copy(g_hbm.at[idxs[p]], rows[p], gsem).wait()

  def scatter_issue(p):
    pltpu.async_copy(rows[p], acc.at[idxd[p]], ssem, add=True)

  def scatter_wait(p):
    pltpu.make_async_copy(rows[p], acc.at[idxd[p]], ssem).wait()

  nit = nchunks // 2
  idx_issue(0, 0)
  idx_wait(0)
  gather_issue(0)

  def step(k, carry):
    for j in (0, 1):
      g = 2 * k + j
      p = j
      q = 1 - j
      if j == 0:
        @pl.when(k > 0)
        def _():
          scatter_wait(1)
        idx_issue(g + 1, q)
      else:
        scatter_wait(0)

        @pl.when(k < nit - 1)
        def _():
          idx_issue(g + 1, q)
      gather_wait(p)
      scatter_issue(p)
      if j == 0:
        idx_wait(q)
        gather_issue(q)
      else:
        @pl.when(k < nit - 1)
        def _():
          idx_wait(q)
          gather_issue(q)
    return carry

  lax.fori_loop(0, nit, step, 0)
  scatter_wait(1)


def _agg_body(nchunks, epad, gcat_hbm, srcq_hbm, dst_hbm, zeros_hbm,
              out, *scr):
  acc = scr[0]
  idxs = list(scr[1:1 + AGRP])
  idxd = list(scr[1 + AGRP:1 + 2 * AGRP])
  rows = list(scr[1 + 2 * AGRP:1 + 3 * AGRP])
  isem, gsem, ssem = scr[1 + 3 * AGRP:]
  c = lax.axis_index("c")
  s = lax.axis_index("s")
  pltpu.sync_copy(zeros_hbm, acc.at[pl.ds(s * RPT, RPT)])
  plsc.subcore_barrier()
  _agg_pipeline(nchunks, s * nchunks, c * epad, gcat_hbm, srcq_hbm, dst_hbm,
                acc, idxs, idxd, rows, isem, gsem, ssem)
  plsc.subcore_barrier()
  pltpu.sync_copy(acc.at[pl.ds(s * RPT, RPT)],
                  out.at[c, pl.ds(s * RPT, RPT)])


def _agg_scratch(hw):
  return ([pltpu.VMEM_SHARED((NPAD, hw), jnp.float32)]
          + [pltpu.VMEM((CHUNK,), jnp.int32) for _ in range(2 * AGRP)]
          + [pltpu.VMEM((CHUNK, hw), jnp.float32) for _ in range(AGRP)]
          + [pltpu.SemaphoreType.DMA] * 3)


def _agg_kernel(gcat, srcq, dst_pad, zeros):
  epad = dst_pad.shape[0]
  nchunks = epad // (NS * CHUNK)
  return pl.kernel(
      functools.partial(_agg_body, nchunks, epad),
      out_type=jax.ShapeDtypeStruct((NC, NPAD, H1), jnp.float32),
      mesh=_mesh(),
      scratch_types=_agg_scratch(H1),
  )(gcat, srcq, dst_pad, zeros)


def _agg2_body(nchunks, g_hbm, src_hbm, dst_hbm, zeros_hbm,
               out, *scr):
  acc = scr[0]
  idxs = list(scr[1:1 + AGRP])
  idxd = list(scr[1 + AGRP:1 + 2 * AGRP])
  rows = list(scr[1 + 2 * AGRP:1 + 3 * AGRP])
  isem, gsem, ssem = scr[1 + 3 * AGRP:]
  c = lax.axis_index("c")
  s = lax.axis_index("s")
  pltpu.sync_copy(zeros_hbm, acc.at[pl.ds(s * RPT, RPT)])
  plsc.subcore_barrier()
  _agg_pipeline(nchunks, (c * NS + s) * nchunks, 0, g_hbm, src_hbm, dst_hbm,
                acc, idxs, idxd, rows, isem, gsem, ssem)
  plsc.subcore_barrier()
  pltpu.sync_copy(acc.at[pl.ds(s * RPT, RPT)],
                  out.at[c, pl.ds(s * RPT, RPT)])


def _agg2_kernel(g, src_pad, dst_pad, zeros):
  nchunks = src_pad.shape[0] // (NC * NS * CHUNK)
  return pl.kernel(
      functools.partial(_agg2_body, nchunks),
      out_type=jax.ShapeDtypeStruct((NC, NPAD, D_OUT), jnp.float32),
      mesh=_mesh(),
      scratch_types=_agg_scratch(D_OUT),
  )(g, src_pad, dst_pad, zeros)


def _dis(dega, degb):
  deg = dega[:, 0] + degb[:, 0] + 1.0
  return lax.rsqrt(deg)


def _mm1_body(x_ref, w_ref, dega_ref, degb_ref, gc_ref):
  h = jnp.dot(x_ref[...], w_ref[...], preferred_element_type=jnp.float32)
  g = h * _dis(dega_ref[...], degb_ref[...])[:, None]
  gc_ref[0] = g[:, :H1]
  gc_ref[1] = g[:, H1:]


def _mm1(x, w1, dega, degb):
  return pl.pallas_call(
      _mm1_body,
      grid=(N // RB,),
      in_specs=[
          pl.BlockSpec((RB, D_IN), lambda i: (i, 0)),
          pl.BlockSpec((D_IN, D_HID), lambda i: (0, 0)),
          pl.BlockSpec((RB, DEGW), lambda i: (i, 0)),
          pl.BlockSpec((RB, DEGW), lambda i: (i, 0)),
      ],
      out_specs=pl.BlockSpec((2, RB, H1), lambda i: (0, i, 0)),
      out_shape=jax.ShapeDtypeStruct((2, N, H1), jnp.float32),
  )(x, w1, dega, degb)


def _mm2_body(a1a_ref, a1b_ref, gc_ref, dega_ref, degb_ref,
              w2_ref, b1_ref, g2_ref):
  dis = _dis(dega_ref[...], degb_ref[...])[:, None]
  z0 = jnp.maximum(dis * (a1a_ref[...] + gc_ref[0]) + b1_ref[0, :H1], 0.0)
  z1 = jnp.maximum(dis * (a1b_ref[...] + gc_ref[1]) + b1_ref[0, H1:], 0.0)
  z = jnp.concatenate([z0, z1], axis=1)
  g2_ref[...] = jnp.dot(z, w2_ref[...], preferred_element_type=jnp.float32) * dis


def _mm2(a1a, a1b, gc, dega, degb, w2, b1):
  return pl.pallas_call(
      _mm2_body,
      grid=(N // RB,),
      in_specs=[
          pl.BlockSpec((RB, H1), lambda i: (i, 0)),
          pl.BlockSpec((RB, H1), lambda i: (i, 0)),
          pl.BlockSpec((2, RB, H1), lambda i: (0, i, 0)),
          pl.BlockSpec((RB, DEGW), lambda i: (i, 0)),
          pl.BlockSpec((RB, DEGW), lambda i: (i, 0)),
          pl.BlockSpec((D_HID, D_OUT), lambda i: (0, 0)),
          pl.BlockSpec((1, D_HID), lambda i: (0, 0)),
      ],
      out_specs=pl.BlockSpec((RB, D_OUT), lambda i: (i, 0)),
      out_shape=jax.ShapeDtypeStruct((N, D_OUT), jnp.float32),
  )(a1a, a1b, gc, dega, degb, w2, b1)


def _fin_body(a2a_ref, a2b_ref, g2_ref, dega_ref, degb_ref,
              b2_ref, out_ref):
  dis = _dis(dega_ref[...], degb_ref[...])[:, None]
  out_ref[...] = (dis * (a2a_ref[...] + a2b_ref[...] + g2_ref[...])
                  + b2_ref[0, :])


def _fin(a2a, a2b, g2, dega, degb, b2):
  return pl.pallas_call(
      _fin_body,
      grid=(N // RB,),
      in_specs=[
          pl.BlockSpec((RB, D_OUT), lambda i: (i, 0)),
          pl.BlockSpec((RB, D_OUT), lambda i: (i, 0)),
          pl.BlockSpec((RB, D_OUT), lambda i: (i, 0)),
          pl.BlockSpec((RB, DEGW), lambda i: (i, 0)),
          pl.BlockSpec((RB, DEGW), lambda i: (i, 0)),
          pl.BlockSpec((1, D_OUT), lambda i: (0, 0)),
      ],
      out_specs=pl.BlockSpec((RB, D_OUT), lambda i: (i, 0)),
      out_shape=jax.ShapeDtypeStruct((N, D_OUT), jnp.float32),
  )(a2a, a2b, g2, dega, degb, b2)


def kernel(x, edge_index, W1, b1, W2, b2):
  e = edge_index.shape[1]
  gran = NC * NS * CHUNK * GRP
  epad = ((e + gran - 1) // gran) * gran
  src = jnp.concatenate(
      [edge_index[0], jnp.zeros((epad - e,), jnp.int32)])
  dst = jnp.concatenate(
      [edge_index[1], jnp.full((epad - e,), N, jnp.int32)])
  srcq = jnp.concatenate([src, src + N])

  ones = jnp.ones((CHUNK, W128), jnp.float32)
  zeros128 = jnp.zeros((RPT, W128), jnp.float32)
  zeros_h1 = jnp.zeros((RPT, H1), jnp.float32)
  zeros_h2 = jnp.zeros((RPT, D_OUT), jnp.float32)

  deg2 = _deg_kernel(dst, ones, zeros128)
  dega, degb = deg2[0, :N, :DEGW], deg2[1, :N, :DEGW]
  gc = _mm1(x, W1, dega, degb)
  gcat = gc.reshape(2 * N, H1)
  a1 = _agg_kernel(gcat, srcq, dst, zeros_h1)
  g2 = _mm2(a1[0, :N], a1[1, :N], gc, dega, degb, W2, b1.reshape(1, D_HID))
  a2 = _agg2_kernel(g2, src, dst, zeros_h2)
  return _fin(a2[0, :N], a2[1, :N], g2, dega, degb, b2.reshape(1, D_OUT))

# --- scband reference (transcript-rebuilt; emitter-appended) ---
"""Pipeline reference for scband-gcnrecommendation-model-46591805227219 (READ-ONLY COPY).

The authoritative reference and input builder live on the scoring server;
editing this copy changes nothing except your own understanding.
"""

import jax, jax.numpy as jnp
import numpy as np


def gcn_conv(x, edge_index, W, b):
    # Faithful PyG GCNConv: linear transform, add self-loops, symmetric norm, scatter-add aggregate, bias.
    N = x.shape[0]
    loop = jnp.arange(N, dtype=edge_index.dtype)
    src = jnp.concatenate([edge_index[0], loop])
    dst = jnp.concatenate([edge_index[1], loop])
    deg = jnp.zeros((N,), dtype=x.dtype).at[dst].add(1.0)
    deg_inv_sqrt = jnp.where(deg > 0, deg ** -0.5, 0.0)
    norm = deg_inv_sqrt[src] * deg_inv_sqrt[dst]
    h = x @ W
    msg = h[src] * norm[:, None]
    out = jnp.zeros((N, W.shape[1]), dtype=x.dtype).at[dst].add(msg)
    return out + b


def setup_inputs(seed: int = 0):
    key = jax.random.key(seed)
    k1, k2, k3, k4, k5, k6 = jax.random.split(key, 6)
    N, E = 10000, 160000
    d_in, d_hid, d_out = 256, 256, 128
    x = jax.random.normal(k1, (N, d_in), dtype=jnp.float32)
    edge_index = jax.random.randint(k2, (2, E), 0, N, dtype=jnp.int32)
    W1 = jax.random.normal(k3, (d_in, d_hid), dtype=jnp.float32) * (1.0 / np.sqrt(d_in))
    b1 = jnp.zeros((d_hid,), dtype=jnp.float32)
    W2 = jax.random.normal(k4, (d_hid, d_out), dtype=jnp.float32) * (1.0 / np.sqrt(d_hid))
    b2 = jnp.zeros((d_out,), dtype=jnp.float32)
    return {"x": x, "edge_index": edge_index, "W1": W1, "b1": b1, "W2": W2, "b2": b2}


def reference(x, edge_index, W1, b1, W2, b2):
    h = gcn_conv(x, edge_index, W1, b1)
    h = jax.nn.relu(h)
    out = gcn_conv(h, edge_index, W2, b2)
    return out

if __name__ == "__main__":
    import jax
    _d = setup_inputs()
    print(jax.jit(kernel)(*tuple(_d.values())))

</pallas_src>

<mosaic_0001>
#map = affine_map<(d0, d1) -> (0)>
#map1 = affine_map<(d0, d1) -> (0, 0)>
#map2 = affine_map<(d0, d1) -> (0, 0, 0)>
module attributes {stable_mosaic.version = 14 : i64} {
  func.func @_deg_body(%arg0: i32, %arg1: i32, %arg2: memref<163840xi32, #tpu.memory_space<hbm>>, %arg3: memref<128x128xf32, #tpu.memory_space<hbm>>, %arg4: memref<640x128xf32, #tpu.memory_space<hbm>>, %arg5: memref<2x10240x128xf32, #tpu.memory_space<hbm>>, %arg6: memref<10240x128xf32, #tpu.memory_space<vmem_shared>>, %arg7: memref<128xi32, #tpu.memory_space<vmem>>, %arg8: memref<128xi32, #tpu.memory_space<vmem>>, %arg9: memref<128xi32, #tpu.memory_space<vmem>>, %arg10: memref<128xi32, #tpu.memory_space<vmem>>, %arg11: memref<128x128xf32, #tpu.memory_space<vmem>>, %arg12: memref<!tpu.dma_semaphore, #tpu.memory_space<semaphore_mem>>, %arg13: memref<!tpu.dma_semaphore, #tpu.memory_space<semaphore_mem>>) attributes {dimension_semantics = [#tpu.dimension_semantics<core_parallel>, #tpu.dimension_semantics<subcore_parallel>], iteration_bounds = array<i64: 2, 16>, scalar_prefetch = 0 : i64, scratch_operands = 8 : i64, tpu.core_type = #tpu.core_type<sc_vector_subcore>, window_params = [{transform_indices = #map}, {transform_indices = #map1}, {transform_indices = #map1}, {transform_indices = #map2}]} {
    %mul3A = arith.constant 640 : i32
    %mul3A_0 = arith.muli %arg1, %mul3A : i32
    "tpu.region"() ({
      %run_scoped3A = tpu.sem_alloc : memref<!tpu.dma_semaphore, #tpu.memory_space<semaphore_mem>>
      %dma_start3A = arith.constant 0 : i32
      %dma_start3A_17 = tpu.memref_slice %arg6[%mul3A_0, %dma_start3A] : memref<10240x128xf32, #tpu.memory_space<vmem_shared>> -> memref<640x128xf32, #tpu.memory_space<vmem_shared>>
      tpu.enqueue_dma source(%arg4 : memref<640x128xf32, #tpu.memory_space<hbm>>) target(%dma_start3A_17 : memref<640x128xf32, #tpu.memory_space<vmem_shared>>) target_semaphore(%run_scoped3A : memref<!tpu.dma_semaphore, #tpu.memory_space<semaphore_mem>>)
      %dma_wait3A = arith.constant 0 : i32
      %dma_wait3A_18 = tpu.memref_slice %arg6[%mul3A_0, %dma_wait3A] : memref<10240x128xf32, #tpu.memory_space<vmem_shared>> -> memref<640x128xf32, #tpu.memory_space<vmem_shared>>
      tpu.wait_dma2 semaphore(%run_scoped3A : memref<!tpu.dma_semaphore, #tpu.memory_space<semaphore_mem>>) src(%arg4 : memref<640x128xf32, #tpu.memory_space<hbm>>) dst(%dma_wait3A_18 : memref<640x128xf32, #tpu.memory_space<vmem_shared>>)
      tpu.yield
    }) : () -> ()
    "tpu.region"() ({
      %run_scoped3A = tpu.sem_alloc : memref<!tpu.dma_semaphore, #tpu.memory_space<semaphore_mem>>
      tpu.enqueue_dma source(%arg3 : memref<128x128xf32, #tpu.memory_space<hbm>>) target(%arg11 : memref<128x128xf32, #tpu.memory_space<vmem>>) target_semaphore(%run_scoped3A : memref<!tpu.dma_semaphore, #tpu.memory_space<semaphore_mem>>)
      tpu.wait_dma2 semaphore(%run_scoped3A : memref<!tpu.dma_semaphore, #tpu.memory_space<semaphore_mem>>) src(%arg3 : memref<128x128xf32, #tpu.memory_space<hbm>>) dst(%arg11 : memref<128x128xf32, #tpu.memory_space<vmem>>)
      tpu.yield
    }) : () -> ()
    %barrier3A = arith.constant 0 : index
    tpu.barrier barrier_id(%barrier3A)
    %mul3A_1 = arith.constant 16 : i32
    %mul3A_2 = arith.muli %arg0, %mul3A_1 : i32
    %add3A = arith.addi %mul3A_2, %arg1 : i32
    %mul3A_3 = arith.constant 10 : i32
    %mul3A_4 = arith.muli %add3A, %mul3A_3 : i32
    %mul3A_5 = arith.constant 4 : i32
    %mul3A_6 = arith.muli %mul3A_4, %mul3A_5 : i32
    %scan3A = arith.constant 0 : i32
    %scan3A_7 = arith.constant 0 : i32
    %scan3A_8 = arith.constant 10 : i32
    %scan3A_9 = arith.addi %scan3A_7, %scan3A_8 : i32
    %scan3A_10 = arith.constant 1 : i32
    scf.for %scan3A_17 = %scan3A_7 to %scan3A_9 step %scan3A_10  : i32 {
      %mul3A_18 = arith.constant 4 : i32
      %mul3A_19 = arith.muli %scan3A_17, %mul3A_18 : i32
      %add3A_20 = arith.addi %mul3A_6, %mul3A_19 : i32
      %mul3A_21 = arith.constant 128 : i32
      %mul3A_22 = arith.muli %add3A_20, %mul3A_21 : i32
      %add3A_23 = arith.constant 0 : i32
      %add3A_24 = arith.addi %mul3A_22, %add3A_23 : i32
      %dma_start3A = tpu.memref_slice %arg2[%add3A_24] : memref<163840xi32, #tpu.memory_space<hbm>> -> memref<128xi32, #tpu.memory_space<hbm>>
      %dma_start3A_25 = tpu.memref_slice %arg2[%add3A_24] : memref<163840xi32, #tpu.memory_space<hbm>> -> memref<128xi32, #tpu.memory_space<hbm>>
      tpu.enqueue_dma source(%dma_start3A_25 : memref<128xi32, #tpu.memory_space<hbm>>) target(%arg7 : memref<128xi32, #tpu.memory_space<vmem>>) target_semaphore(%arg12 : memref<!tpu.dma_semaphore, #tpu.memory_space<semaphore_mem>>)
      %add3A_26 = arith.constant 128 : i32
      %add3A_27 = arith.addi %mul3A_22, %add3A_26 : i32
      %dma_start3A_28 = tpu.memref_slice %arg2[%add3A_27] : memref<163840xi32, #tpu.memory_space<hbm>> -> memref<128xi32, #tpu.memory_space<hbm>>
      %dma_start3A_29 = tpu.memref_slice %arg2[%add3A_27] : memref<163840xi32, #tpu.memory_space<hbm>> -> memref<128xi32, #tpu.memory_space<hbm>>
      tpu.enqueue_dma source(%dma_start3A_29 : memref<128xi32, #tpu.memory_space<hbm>>) target(%arg8 : memref<128xi32, #tpu.memory_space<vmem>>) target_semaphore(%arg12 : memref<!tpu.dma_semaphore, #tpu.memory_space<semaphore_mem>>)
      %add3A_30 = arith.constant 256 : i32
      %add3A_31 = arith.addi %mul3A_22, %add3A_30 : i32
      %dma_start3A_32 = tpu.memref_slice %arg2[%add3A_31] : memref<163840xi32, #tpu.memory_space<hbm>> -> memref<128xi32, #tpu.memory_space<hbm>>
      %dma_start3A_33 = tpu.memref_slice %arg2[%add3A_31] : memref<163840xi32, #tpu.memory_space<hbm>> -> memref<128xi32, #tpu.memory_space<hbm>>
      tpu.enqueue_dma source(%dma_start3A_33 : memref<128xi32, #tpu.memory_space<hbm>>) target(%arg9 : memref<128xi32, #tpu.memory_space<vmem>>) target_semaphore(%arg12 : memref<!tpu.dma_semaphore, #tpu.memory_space<semaphore_mem>>)
      %add3A_34 = arith.constant 384 : i32
      %add3A_35 = arith.addi %mul3A_22, %add3A_34 : i32
      %dma_start3A_36 = tpu.memref_slice %arg2[%add3A_35] : memref<163840xi32, #tpu.memory_space<hbm>> -> memref<128xi32, #tpu.memory_space<hbm>>
      %dma_start3A_37 = tpu.memref_slice %arg2[%add3A_35] : memref<163840xi32, #tpu.memory_space<hbm>> -> memref<128xi32, #tpu.memory_space<hbm>>
      tpu.enqueue_dma source(%dma_start3A_37 : memref<128xi32, #tpu.memory_space<hbm>>) target(%arg10 : memref<128xi32, #tpu.memory_space<vmem>>) target_semaphore(%arg12 : memref<!tpu.dma_semaphore, #tpu.memory_space<semaphore_mem>>)
      %dma_wait3A = tpu.memref_slice %arg2[%add3A_24] : memref<163840xi32, #tpu.memory_space<hbm>> -> memref<128xi32, #tpu.memory_space<hbm>>
      %dma_wait3A_38 = tpu.memref_slice %arg2[%add3A_24] : memref<163840xi32, #tpu.memory_space<hbm>> -> memref<128xi32, #tpu.memory_space<hbm>>
      tpu.wait_dma2 semaphore(%arg12 : memref<!tpu.dma_semaphore, #tpu.memory_space<semaphore_mem>>) src(%dma_wait3A_38 : memref<128xi32, #tpu.memory_space<hbm>>) dst(%arg7 : memref<128xi32, #tpu.memory_space<vmem>>)
      %dma_start3A_39 = arith.constant 0 : i32
      %dma_start3A_40 = arith.constant 0 : i32
      %dma_start3A_41 = tpu.memref_slice %arg6[%dma_start3A_39, %dma_start3A_40] : memref<10240x128xf32, #tpu.memory_space<vmem_shared>> -> memref<10240x128xf32, #tpu.memory_space<vmem_shared>>
      tpu.enqueue_indirect_dma source(%arg11 : memref<128x128xf32, #tpu.memory_space<vmem>>) target(%dma_start3A_41 : memref<10240x128xf32, #tpu.memory_space<vmem_shared>>) offsets(%arg7 : memref<128xi32, #tpu.memory_space<vmem>>) semaphore(%arg13 : memref<!tpu.dma_semaphore, #tpu.memory_space<semaphore_mem>>) {add = true}
      %dma_wait3A_42 = tpu.memref_slice %arg2[%add3A_27] : memref<163840xi32, #tpu.memory_space<hbm>> -> memref<128xi32, #tpu.memory_space<hbm>>
      %dma_wait3A_43 = tpu.memref_slice %arg2[%add3A_27] : memref<163840xi32, #tpu.memory_space<hbm>> -> memref<128xi32, #tpu.memory_space<hbm>>
      tpu.wait_dma2 semaphore(%arg12 : memref<!tpu.dma_semaphore, #tpu.memory_space<semaphore_mem>>) src(%dma_wait3A_43 : memref<128xi32, #tpu.memory_space<hbm>>) dst(%arg8 : memref<128xi32, #tpu.memory_space<vmem>>)
      %dma_start3A_44 = arith.constant 0 : i32
      %dma_start3A_45 = arith.constant 0 : i32
      %dma_start3A_46 = tpu.memref_slice %arg6[%dma_start3A_44, %dma_start3A_45] : memref<10240x128xf32, #tpu.memory_space<vmem_shared>> -> memref<10240x128xf32, #tpu.memory_space<vmem_shared>>
      tpu.enqueue_indirect_dma source(%arg11 : memref<128x128xf32, #tpu.memory_space<vmem>>) target(%dma_start3A_46 : memref<10240x128xf32, #tpu.memory_space<vmem_shared>>) offsets(%arg8 : memref<128xi32, #tpu.memory_space<vmem>>) semaphore(%arg13 : memref<!tpu.dma_semaphore, #tpu.memory_space<semaphore_mem>>) {add = true}
      %dma_wait3A_47 = tpu.memref_slice %arg2[%add3A_31] : memref<163840xi32, #tpu.memory_space<hbm>> -> memref<128xi32, #tpu.memory_space<hbm>>
      %dma_wait3A_48 = tpu.memref_slice %arg2[%add3A_31] : memref<163840xi32, #tpu.memory_space<hbm>> -> memref<128xi32, #tpu.memory_space<hbm>>
      tpu.wait_dma2 semaphore(%arg12 : memref<!tpu.dma_semaphore, #tpu.memory_space<semaphore_mem>>) src(%dma_wait3A_48 : memref<128xi32, #tpu.memory_space<hbm>>) dst(%arg9 : memref<128xi32, #tpu.memory_space<vmem>>)
      %dma_start3A_49 = arith.constant 0 : i32
      %dma_start3A_50 = arith.constant 0 : i32
      %dma_start3A_51 = tpu.memref_slice %arg6[%dma_start3A_49, %dma_start3A_50] : memref<10240x128xf32, #tpu.memory_space<vmem_shared>> -> memref<10240x128xf32, #tpu.memory_space<vmem_shared>>
      tpu.enqueue_indirect_dma source(%arg11 : memref<128x128xf32, #tpu.memory_space<vmem>>) target(%dma_start3A_51 : memref<10240x128xf32, #tpu.memory_space<vmem_shared>>) offsets(%arg9 : memref<128xi32, #tpu.memory_space<vmem>>) semaphore(%arg13 : memref<!tpu.dma_semaphore, #tpu.memory_space<semaphore_mem>>) {add = true}
      %dma_wait3A_52 = tpu.memref_slice %arg2[%add3A_35] : memref<163840xi32, #tpu.memory_space<hbm>> -> memref<128xi32, #tpu.memory_space<hbm>>
      %dma_wait3A_53 = tpu.memref_slice %arg2[%add3A_35] : memref<163840xi32, #tpu.memory_space<hbm>> -> memref<128xi32, #tpu.memory_space<hbm>>
      tpu.wait_dma2 semaphore(%arg12 : memref<!tpu.dma_semaphore, #tpu.memory_space<semaphore_mem>>) src(%dma_wait3A_53 : memref<128xi32, #tpu.memory_space<hbm>>) dst(%arg10 : memref<128xi32, #tpu.memory_space<vmem>>)
      %dma_start3A_54 = arith.constant 0 : i32
      %dma_start3A_55 = arith.constant 0 : i32
      %dma_start3A_56 = tpu.memref_slice %arg6[%dma_start3A_54, %dma_start3A_55] : memref<10240x128xf32, #tpu.memory_space<vmem_shared>> -> memref<10240x128xf32, #tpu.memory_space<vmem_shared>>
      tpu.enqueue_indirect_dma source(%arg11 : memref<128x128xf32, #tpu.memory_space<vmem>>) target(%dma_start3A_56 : memref<10240x128xf32, #tpu.memory_space<vmem_shared>>) offsets(%arg10 : memref<128xi32, #tpu.memory_space<vmem>>) semaphore(%arg13 : memref<!tpu.dma_semaphore, #tpu.memory_space<semaphore_mem>>) {add = true}
      %dma_wait3A_57 = arith.constant 0 : i32
      %dma_wait3A_58 = arith.constant 0 : i32
      %dma_wait3A_59 = tpu.memref_slice %arg6[%dma_wait3A_57, %dma_wait3A_58] : memref<10240x128xf32, #tpu.memory_space<vmem_shared>> -> memref<10240x128xf32, #tpu.memory_space<vmem_shared>>
      tpu.wait_indirect_dma semaphore(%arg13 : memref<!tpu.dma_semaphore, #tpu.memory_space<semaphore_mem>>) src(%arg11 : memref<128x128xf32, #tpu.memory_space<vmem>>) dst(%dma_wait3A_59 : memref<10240x128xf32, #tpu.memory_space<vmem_shared>>)
      %dma_wait3A_60 = arith.constant 0 : i32
      %dma_wait3A_61 = arith.constant 0 : i32
      %dma_wait3A_62 = tpu.memref_slice %arg6[%dma_wait3A_60, %dma_wait3A_61] : memref<10240x128xf32, #tpu.memory_space<vmem_shared>> -> memref<10240x128xf32, #tpu.memory_space<vmem_shared>>
      tpu.wait_indirect_dma semaphore(%arg13 : memref<!tpu.dma_semaphore, #tpu.memory_space<semaphore_mem>>) src(%arg11 : memref<128x128xf32, #tpu.memory_space<vmem>>) dst(%dma_wait3A_62 : memref<10240x128xf32, #tpu.memory_space<vmem_shared>>)
      %dma_wait3A_63 = arith.constant 0 : i32
      %dma_wait3A_64 = arith.constant 0 : i32
      %dma_wait3A_65 = tpu.memref_slice %arg6[%dma_wait3A_63, %dma_wait3A_64] : memref<10240x128xf32, #tpu.memory_space<vmem_shared>> -> memref<10240x128xf32, #tpu.memory_space<vmem_shared>>
      tpu.wait_indirect_dma semaphore(%arg13 : memref<!tpu.dma_semaphore, #tpu.memory_space<semaphore_mem>>) src(%arg11 : memref<128x128xf32, #tpu.memory_space<vmem>>) dst(%dma_wait3A_65 : memref<10240x128xf32, #tpu.memory_space<vmem_shared>>)
      %dma_wait3A_66 = arith.constant 0 : i32
      %dma_wait3A_67 = arith.constant 0 : i32
      %dma_wait3A_68 = tpu.memref_slice %arg6[%dma_wait3A_66, %dma_wait3A_67] : memref<10240x128xf32, #tpu.memory_space<vmem_shared>> -> memref<10240x128xf32, #tpu.memory_space<vmem_shared>>
      tpu.wait_indirect_dma semaphore(%arg13 : memref<!tpu.dma_semaphore, #tpu.memory_space<semaphore_mem>>) src(%arg11 : memref<128x128xf32, #tpu.memory_space<vmem>>) dst(%dma_wait3A_68 : memref<10240x128xf32, #tpu.memory_space<vmem_shared>>)
    }
    %scan3A_11 = arith.constant 10 : i32
    %barrier3A_12 = arith.constant 0 : index
    tpu.barrier barrier_id(%barrier3A_12)
    %mul3A_13 = arith.constant 640 : i32
    %mul3A_14 = arith.muli %arg1, %mul3A_13 : i32
    %mul3A_15 = arith.constant 640 : i32
    %mul3A_16 = arith.muli %arg1, %mul3A_15 : i32
    "tpu.region"() ({
      %run_scoped3A = tpu.sem_alloc : memref<!tpu.dma_semaphore, #tpu.memory_space<semaphore_mem>>
      %dma_start3A = arith.constant 0 : i32
      %dma_start3A_17 = tpu.memref_slice %arg5[%arg0, %mul3A_16, %dma_start3A] : memref<2x10240x128xf32, #tpu.memory_space<hbm>> -> memref<1x640x128xf32, #tpu.memory_space<hbm>>
      %dma_start3A_18 = tpu.memref_squeeze %dma_start3A_17 : memref<1x640x128xf32, #tpu.memory_space<hbm>> -> memref<640x128xf32, #tpu.memory_space<hbm>>
      %dma_start3A_19 = arith.constant 0 : i32
      %dma_start3A_20 = tpu.memref_slice %arg6[%mul3A_14, %dma_start3A_19] : memref<10240x128xf32, #tpu.memory_space<vmem_shared>> -> memref<640x128xf32, #tpu.memory_space<vmem_shared>>
      tpu.enqueue_dma source(%dma_start3A_20 : memref<640x128xf32, #tpu.memory_space<vmem_shared>>) target(%dma_start3A_18 : memref<640x128xf32, #tpu.memory_space<hbm>>) target_semaphore(%run_scoped3A : memref<!tpu.dma_semaphore, #tpu.memory_space<semaphore_mem>>)
      %dma_wait3A = arith.constant 0 : i32
      %dma_wait3A_21 = tpu.memref_slice %arg5[%arg0, %mul3A_16, %dma_wait3A] : memref<2x10240x128xf32, #tpu.memory_space<hbm>> -> memref<1x640x128xf32, #tpu.memory_space<hbm>>
      %dma_wait3A_22 = tpu.memref_squeeze %dma_wait3A_21 : memref<1x640x128xf32, #tpu.memory_space<hbm>> -> memref<640x128xf32, #tpu.memory_space<hbm>>
      %dma_wait3A_23 = arith.constant 0 : i32
      %dma_wait3A_24 = tpu.memref_slice %arg6[%mul3A_14, %dma_wait3A_23] : memref<10240x128xf32, #tpu.memory_space<vmem_shared>> -> memref<640x128xf32, #tpu.memory_space<vmem_shared>>
      tpu.wait_dma2 semaphore(%run_scoped3A : memref<!tpu.dma_semaphore, #tpu.memory_space<semaphore_mem>>) src(%dma_wait3A_24 : memref<640x128xf32, #tpu.memory_space<vmem_shared>>) dst(%dma_wait3A_22 : memref<640x128xf32, #tpu.memory_space<hbm>>)
      tpu.yield
    }) : () -> ()
    return
  }
}

#map = affine_map<(d0, d1) -> (0, 0)>
#map1 = affine_map<(d0, d1) -> (0)>
#map2 = affine_map<(d0, d1) -> (0, 0, 0)>
module attributes {stable_mosaic.version = 14 : i64} {
  func.func @_agg_body(%arg0: i32, %arg1: i32, %arg2: memref<20000x128xf32, #tpu.memory_space<hbm>>, %arg3: memref<327680xi32, #tpu.memory_space<hbm>>, %arg4: memref<163840xi32, #tpu.memory_space<hbm>>, %arg5: memref<640x128xf32, #tpu.memory_space<hbm>>, %arg6: memref<2x10240x128xf32, #tpu.memory_space<hbm>>, %arg7: memref<10240x128xf32, #tpu.memory_space<vmem_shared>>, %arg8: memref<128xi32, #tpu.memory_space<vmem>>, %arg9: memref<128xi32, #tpu.memory_space<vmem>>, %arg10: memref<128xi32, #tpu.memory_space<vmem>>, %arg11: memref<128xi32, #tpu.memory_space<vmem>>, %arg12: memref<128x128xf32, #tpu.memory_space<vmem>>, %arg13: memref<128x128xf32, #tpu.memory_space<vmem>>, %arg14: memref<!tpu.dma_semaphore, #tpu.memory_space<semaphore_mem>>, %arg15: memref<!tpu.dma_semaphore, #tpu.memory_space<semaphore_mem>>, %arg16: memref<!tpu.dma_semaphore, #tpu.memory_space<semaphore_mem>>) attributes {dimension_semantics = [#tpu.dimension_semantics<core_parallel>, #tpu.dimension_semantics<subcore_parallel>], iteration_bounds = array<i64: 2, 16>, scalar_prefetch = 0 : i64, scratch_operands = 10 : i64, tpu.core_type = #tpu.core_type<sc_vector_subcore>, window_params = [{transform_indices = #map}, {transform_indices = #map1}, {transform_indices = #map1}, {transform_indices = #map}, {transform_indices = #map2}]} {
    %mul3A = arith.constant 640 : i32
    %mul3A_0 = arith.muli %arg1, %mul3A : i32
    "tpu.region"() ({
      %run_scoped3A = tpu.sem_alloc : memref<!tpu.dma_semaphore, #tpu.memory_space<semaphore_mem>>
      %dma_start3A_35 = arith.constant 0 : i32
      %dma_start3A_36 = tpu.memref_slice %arg7[%mul3A_0, %dma_start3A_35] : memref<10240x128xf32, #tpu.memory_space<vmem_shared>> -> memref<640x128xf32, #tpu.memory_space<vmem_shared>>
      tpu.enqueue_dma source(%arg5 : memref<640x128xf32, #tpu.memory_space<hbm>>) target(%dma_start3A_36 : memref<640x128xf32, #tpu.memory_space<vmem_shared>>) target_semaphore(%run_scoped3A : memref<!tpu.dma_semaphore, #tpu.memory_space<semaphore_mem>>)
      %dma_wait3A_37 = arith.constant 0 : i32
      %dma_wait3A_38 = tpu.memref_slice %arg7[%mul3A_0, %dma_wait3A_37] : memref<10240x128xf32, #tpu.memory_space<vmem_shared>> -> memref<640x128xf32, #tpu.memory_space<vmem_shared>>
      tpu.wait_dma2 semaphore(%run_scoped3A : memref<!tpu.dma_semaphore, #tpu.memory_space<semaphore_mem>>) src(%arg5 : memref<640x128xf32, #tpu.memory_space<hbm>>) dst(%dma_wait3A_38 : memref<640x128xf32, #tpu.memory_space<vmem_shared>>)
      tpu.yield
    }) : () -> ()
    %barrier3A = arith.constant 0 : index
    tpu.barrier barrier_id(%barrier3A)
    %mul3A_1 = arith.constant 80 : i32
    %mul3A_2 = arith.muli %arg1, %mul3A_1 : i32
    %mul3A_3 = arith.constant 163840 : i32
    %mul3A_4 = arith.muli %arg0, %mul3A_3 : i32
    %add3A = arith.constant 0 : i32
    %add3A_5 = arith.addi %mul3A_2, %add3A : i32
    %mul3A_6 = arith.constant 128 : i32
    %mul3A_7 = arith.muli %add3A_5, %mul3A_6 : i32
    %add3A_8 = arith.addi %mul3A_4, %mul3A_7 : i32
    %dma_start3A = tpu.memref_slice %arg3[%add3A_8] : memref<327680xi32, #tpu.memory_space<hbm>> -> memref<128xi32, #tpu.memory_space<hbm>>
    %dma_start3A_9 = tpu.memref_slice %arg3[%add3A_8] : memref<327680xi32, #tpu.memory_space<hbm>> -> memref<128xi32, #tpu.memory_space<hbm>>
    tpu.enqueue_dma source(%dma_start3A_9 : memref<128xi32, #tpu.memory_space<hbm>>) target(%arg8 : memref<128xi32, #tpu.memory_space<vmem>>) target_semaphore(%arg14 : memref<!tpu.dma_semaphore, #tpu.memory_space<semaphore_mem>>)
    %dma_start3A_10 = tpu.memref_slice %arg4[%mul3A_7] : memref<163840xi32, #tpu.memory_space<hbm>> -> memref<128xi32, #tpu.memory_space<hbm>>
    %dma_start3A_11 = tpu.memref_slice %arg4[%mul3A_7] : memref<163840xi32, #tpu.memory_space<hbm>> -> memref<128xi32, #tpu.memory_space<hbm>>
    tpu.enqueue_dma source(%dma_start3A_11 : memref<128xi32, #tpu.memory_space<hbm>>) target(%arg10 : memref<128xi32, #tpu.memory_space<vmem>>) target_semaphore(%arg14 : memref<!tpu.dma_semaphore, #tpu.memory_space<semaphore_mem>>)
    %dma_wait3A = arith.constant 0 : i32
    %dma_wait3A_12 = tpu.memref_slice %arg3[%dma_wait3A] : memref<327680xi32, #tpu.memory_space<hbm>> -> memref<128xi32, #tpu.memory_space<hbm>>
    %dma_wait3A_13 = arith.constant 0 : i32
    %dma_wait3A_14 = tpu.memref_slice %arg3[%dma_wait3A_13] : memref<327680xi32, #tpu.memory_space<hbm>> -> memref<128xi32, #tpu.memory_space<hbm>>
    tpu.wait_dma2 semaphore(%arg14 : memref<!tpu.dma_semaphore, #tpu.memory_space<semaphore_mem>>) src(%dma_wait3A_14 : memref<128xi32, #tpu.memory_space<hbm>>) dst(%arg8 : memref<128xi32, #tpu.memory_space<vmem>>)
    %dma_wait3A_15 = arith.constant 0 : i32
    %dma_wait3A_16 = tpu.memref_slice %arg4[%dma_wait3A_15] : memref<163840xi32, #tpu.memory_space<hbm>> -> memref<128xi32, #tpu.memory_space<hbm>>
    %dma_wait3A_17 = arith.constant 0 : i32
    %dma_wait3A_18 = tpu.memref_slice %arg4[%dma_wait3A_17] : memref<163840xi32, #tpu.memory_space<hbm>> -> memref<128xi32, #tpu.memory_space<hbm>>
    tpu.wait_dma2 semaphore(%arg14 : memref<!tpu.dma_semaphore, #tpu.memory_space<semaphore_mem>>) src(%dma_wait3A_18 : memref<128xi32, #tpu.memory_space<hbm>>) dst(%arg10 : memref<128xi32, #tpu.memory_space<vmem>>)
    %dma_start3A_19 = arith.constant 0 : i32
    %dma_start3A_20 = arith.constant 0 : i32
    %dma_start3A_21 = tpu.memref_slice %arg2[%dma_start3A_19, %dma_start3A_20] : memref<20000x128xf32, #tpu.memory_space<hbm>> -> memref<20000x128xf32, #tpu.memory_space<hbm>>
    tpu.enqueue_indirect_dma source(%dma_start3A_21 : memref<20000x128xf32, #tpu.memory_space<hbm>>) target(%arg12 : memref<128x128xf32, #tpu.memory_space<vmem>>) offsets(%arg8 : memref<128xi32, #tpu.memory_space<vmem>>) semaphore(%arg15 : memref<!tpu.dma_semaphore, #tpu.memory_space<semaphore_mem>>)
    %scan3A = arith.constant 0 : i32
    %scan3A_22 = arith.constant 0 : i32
    %scan3A_23 = arith.constant 40 : i32
    %scan3A_24 = arith.addi %scan3A_22, %scan3A_23 : i32
    %scan3A_25 = arith.constant 1 : i32
    scf.for %scan3A_35 = %scan3A_22 to %scan3A_24 step %scan3A_25  : i32 {
      %mul3A_36 = arith.constant 2 : i32
      %mul3A_37 = arith.muli %mul3A_36, %scan3A_35 : i32
      %add3A_38 = arith.constant 0 : i32
      %add3A_39 = arith.addi %mul3A_37, %add3A_38 : i32
      %gt3A = arith.constant 0 : i32
      %gt3A_40 = arith.cmpi sgt, %scan3A_35, %gt3A : i32
      %convert_element_type3A = arith.extui %gt3A_40 : i1 to i32
      %cond3A = arith.constant 0 : i32
      %cond3A_41 = arith.cmpi ne, %convert_element_type3A, %cond3A : i32
      scf.if %cond3A_41 {
        %dma_wait3A_91 = arith.constant 0 : i32
        %dma_wait3A_92 = arith.constant 0 : i32
        %dma_wait3A_93 = tpu.memref_slice %arg7[%dma_wait3A_91, %dma_wait3A_92] : memref<10240x128xf32, #tpu.memory_space<vmem_shared>> -> memref<10240x128xf32, #tpu.memory_space<vmem_shared>>
        tpu.wait_indirect_dma semaphore(%arg16 : memref<!tpu.dma_semaphore, #tpu.memory_space<semaphore_mem>>) src(%arg13 : memref<128x128xf32, #tpu.memory_space<vmem>>) dst(%dma_wait3A_93 : memref<10240x128xf32, #tpu.memory_space<vmem_shared>>)
      } else {
      }
      %add3A_42 = arith.constant 1 : i32
      %add3A_43 = arith.addi %add3A_39, %add3A_42 : i32
      %add3A_44 = arith.addi %mul3A_2, %add3A_43 : i32
      %mul3A_45 = arith.constant 128 : i32
      %mul3A_46 = arith.muli %add3A_44, %mul3A_45 : i32
      %add3A_47 = arith.addi %mul3A_4, %mul3A_46 : i32
      %dma_start3A_48 = tpu.memref_slice %arg3[%add3A_47] : memref<327680xi32, #tpu.memory_space<hbm>> -> memref<128xi32, #tpu.memory_space<hbm>>
      %dma_start3A_49 = tpu.memref_slice %arg3[%add3A_47] : memref<327680xi32, #tpu.memory_space<hbm>> -> memref<128xi32, #tpu.memory_space<hbm>>
      tpu.enqueue_dma source(%dma_start3A_49 : memref<128xi32, #tpu.memory_space<hbm>>) target(%arg9 : memref<128xi32, #tpu.memory_space<vmem>>) target_semaphore(%arg14 : memref<!tpu.dma_semaphore, #tpu.memory_space<semaphore_mem>>)
      %dma_start3A_50 = tpu.memref_slice %arg4[%mul3A_46] : memref<163840xi32, #tpu.memory_space<hbm>> -> memref<128xi32, #tpu.memory_space<hbm>>
      %dma_start3A_51 = tpu.memref_slice %arg4[%mul3A_46] : memref<163840xi32, #tpu.memory_space<hbm>> -> memref<128xi32, #tpu.memory_space<hbm>>
      tpu.enqueue_dma source(%dma_start3A_51 : memref<128xi32, #tpu.memory_space<hbm>>) target(%arg11 : memref<128xi32, #tpu.memory_space<vmem>>) target_semaphore(%arg14 : memref<!tpu.dma_semaphore, #tpu.memory_space<semaphore_mem>>)
      %dma_wait3A_52 = arith.constant 0 : i32
      %dma_wait3A_53 = arith.constant 0 : i32
      %dma_wait3A_54 = tpu.memref_slice %arg2[%dma_wait3A_52, %dma_wait3A_53] : memref<20000x128xf32, #tpu.memory_space<hbm>> -> memref<20000x128xf32, #tpu.memory_space<hbm>>
      tpu.wait_indirect_dma semaphore(%arg15 : memref<!tpu.dma_semaphore, #tpu.memory_space<semaphore_mem>>) src(%dma_wait3A_54 : memref<20000x128xf32, #tpu.memory_space<hbm>>) dst(%arg12 : memref<128x128xf32, #tpu.memory_space<vmem>>)
      %dma_start3A_55 = arith.constant 0 : i32
      %dma_start3A_56 = arith.constant 0 : i32
      %dma_start3A_57 = tpu.memref_slice %arg7[%dma_start3A_55, %dma_start3A_56] : memref<10240x128xf32, #tpu.memory_space<vmem_shared>> -> memref<10240x128xf32, #tpu.memory_space<vmem_shared>>
      tpu.enqueue_indirect_dma source(%arg12 : memref<128x128xf32, #tpu.memory_space<vmem>>) target(%dma_start3A_57 : memref<10240x128xf32, #tpu.memory_space<vmem_shared>>) offsets(%arg10 : memref<128xi32, #tpu.memory_space<vmem>>) semaphore(%arg16 : memref<!tpu.dma_semaphore, #tpu.memory_space<semaphore_mem>>) {add = true}
      %dma_wait3A_58 = arith.constant 0 : i32
      %dma_wait3A_59 = tpu.memref_slice %arg3[%dma_wait3A_58] : memref<327680xi32, #tpu.memory_space<hbm>> -> memref<128xi32, #tpu.memory_space<hbm>>
      %dma_wait3A_60 = arith.constant 0 : i32
      %dma_wait3A_61 = tpu.memref_slice %arg3[%dma_wait3A_60] : memref<327680xi32, #tpu.memory_space<hbm>> -> memref<128xi32, #tpu.memory_space<hbm>>
      tpu.wait_dma2 semaphore(%arg14 : memref<!tpu.dma_semaphore, #tpu.memory_space<semaphore_mem>>) src(%dma_wait3A_61 : memref<128xi32, #tpu.memory_space<hbm>>) dst(%arg9 : memref<128xi32, #tpu.memory_space<vmem>>)
      %dma_wait3A_62 = arith.constant 0 : i32
      %dma_wait3A_63 = tpu.memref_slice %arg4[%dma_wait3A_62] : memref<163840xi32, #tpu.memory_space<hbm>> -> memref<128xi32, #tpu.memory_space<hbm>>
      %dma_wait3A_64 = arith.constant 0 : i32
      %dma_wait3A_65 = tpu.memref_slice %arg4[%dma_wait3A_64] : memref<163840xi32, #tpu.memory_space<hbm>> -> memref<128xi32, #tpu.memory_space<hbm>>
      tpu.wait_dma2 semaphore(%arg14 : memref<!tpu.dma_semaphore, #tpu.memory_space<semaphore_mem>>) src(%dma_wait3A_65 : memref<128xi32, #tpu.memory_space<hbm>>) dst(%arg11 : memref<128xi32, #tpu.memory_space<vmem>>)
      %dma_start3A_66 = arith.constant 0 : i32
      %dma_start3A_67 = arith.constant 0 : i32
      %dma_start3A_68 = tpu.memref_slice %arg2[%dma_start3A_66, %dma_start3A_67] : memref<20000x128xf32, #tpu.memory_space<hbm>> -> memref<20000x128xf32, #tpu.memory_space<hbm>>
      tpu.enqueue_indirect_dma source(%dma_start3A_68 : memref<20000x128xf32, #tpu.memory_space<hbm>>) target(%arg13 : memref<128x128xf32, #tpu.memory_space<vmem>>) offsets(%arg9 : memref<128xi32, #tpu.memory_space<vmem>>) semaphore(%arg15 : memref<!tpu.dma_semaphore, #tpu.memory_space<semaphore_mem>>)
      %mul3A_69 = arith.constant 2 : i32
      %mul3A_70 = arith.muli %mul3A_69, %scan3A_35 : i32
      %add3A_71 = arith.constant 1 : i32
      %add3A_72 = arith.addi %mul3A_70, %add3A_71 : i32
      %dma_wait3A_73 = arith.constant 0 : i32
      %dma_wait3A_74 = arith.constant 0 : i32
      %dma_wait3A_75 = tpu.memref_slice %arg7[%dma_wait3A_73, %dma_wait3A_74] : memref<10240x128xf32, #tpu.memory_space<vmem_shared>> -> memref<10240x128xf32, #tpu.memory_space<vmem_shared>>
      tpu.wait_indirect_dma semaphore(%arg16 : memref<!tpu.dma_semaphore, #tpu.memory_space<semaphore_mem>>) src(%arg12 : memref<128x128xf32, #tpu.memory_space<vmem>>) dst(%dma_wait3A_75 : memref<10240x128xf32, #tpu.memory_space<vmem_shared>>)
      %lt3A = arith.constant 39 : i32
      %lt3A_76 = arith.cmpi slt, %scan3A_35, %lt3A : i32
      %convert_element_type3A_77 = arith.extui %lt3A_76 : i1 to i32
      %cond3A_78 = arith.constant 0 : i32
      %cond3A_79 = arith.cmpi ne, %convert_element_type3A_77, %cond3A_78 : i32
      scf.if %cond3A_79 {
        %add3A_91 = arith.constant 1 : i32
        %add3A_92 = arith.addi %add3A_72, %add3A_91 : i32
        %add3A_93 = arith.addi %mul3A_2, %add3A_92 : i32
        %mul3A_94 = arith.constant 128 : i32
        %mul3A_95 = arith.muli %add3A_93, %mul3A_94 : i32
        %add3A_96 = arith.addi %mul3A_4, %mul3A_95 : i32
        %dma_start3A_97 = tpu.memref_slice %arg3[%add3A_96] : memref<327680xi32, #tpu.memory_space<hbm>> -> memref<128xi32, #tpu.memory_space<hbm>>
        %dma_start3A_98 = tpu.memref_slice %arg3[%add3A_96] : memref<327680xi32, #tpu.memory_space<hbm>> -> memref<128xi32, #tpu.memory_space<hbm>>
        tpu.enqueue_dma source(%dma_start3A_98 : memref<128xi32, #tpu.memory_space<hbm>>) target(%arg8 : memref<128xi32, #tpu.memory_space<vmem>>) target_semaphore(%arg14 : memref<!tpu.dma_semaphore, #tpu.memory_space<semaphore_mem>>)
        %dma_start3A_99 = tpu.memref_slice %arg4[%mul3A_95] : memref<163840xi32, #tpu.memory_space<hbm>> -> memref<128xi32, #tpu.memory_space<hbm>>
        %dma_start3A_100 = tpu.memref_slice %arg4[%mul3A_95] : memref<163840xi32, #tpu.memory_space<hbm>> -> memref<128xi32, #tpu.memory_space<hbm>>
        tpu.enqueue_dma source(%dma_start3A_100 : memref<128xi32, #tpu.memory_space<hbm>>) target(%arg10 : memref<128xi32, #tpu.memory_space<vmem>>) target_semaphore(%arg14 : memref<!tpu.dma_semaphore, #tpu.memory_space<semaphore_mem>>)
      } else {
      }
      %dma_wait3A_80 = arith.constant 0 : i32
      %dma_wait3A_81 = arith.constant 0 : i32
      %dma_wait3A_82 = tpu.memref_slice %arg2[%dma_wait3A_80, %dma_wait3A_81] : memref<20000x128xf32, #tpu.memory_space<hbm>> -> memref<20000x128xf32, #tpu.memory_space<hbm>>
      tpu.wait_indirect_dma semaphore(%arg15 : memref<!tpu.dma_semaphore, #tpu.memory_space<semaphore_mem>>) src(%dma_wait3A_82 : memref<20000x128xf32, #tpu.memory_space<hbm>>) dst(%arg13 : memref<128x128xf32, #tpu.memory_space<vmem>>)
      %dma_start3A_83 = arith.constant 0 : i32
      %dma_start3A_84 = arith.constant 0 : i32
      %dma_start3A_85 = tpu.memref_slice %arg7[%dma_start3A_83, %dma_start3A_84] : memref<10240x128xf32, #tpu.memory_space<vmem_shared>> -> memref<10240x128xf32, #tpu.memory_space<vmem_shared>>
      tpu.enqueue_indirect_dma source(%arg13 : memref<128x128xf32, #tpu.memory_space<vmem>>) target(%dma_start3A_85 : memref<10240x128xf32, #tpu.memory_space<vmem_shared>>) offsets(%arg11 : memref<128xi32, #tpu.memory_space<vmem>>) semaphore(%arg16 : memref<!tpu.dma_semaphore, #tpu.memory_space<semaphore_mem>>) {add = true}
      %lt3A_86 = arith.constant 39 : i32
      %lt3A_87 = arith.cmpi slt, %scan3A_35, %lt3A_86 : i32
      %convert_element_type3A_88 = arith.extui %lt3A_87 : i1 to i32
      %cond3A_89 = arith.constant 0 : i32
      %cond3A_90 = arith.cmpi ne, %convert_element_type3A_88, %cond3A_89 : i32
      scf.if %cond3A_90 {
        %dma_wait3A_91 = arith.constant 0 : i32
        %dma_wait3A_92 = tpu.memref_slice %arg3[%dma_wait3A_91] : memref<327680xi32, #tpu.memory_space<hbm>> -> memref<128xi32, #tpu.memory_space<hbm>>
        %dma_wait3A_93 = arith.constant 0 : i32
        %dma_wait3A_94 = tpu.memref_slice %arg3[%dma_wait3A_93] : memref<327680xi32, #tpu.memory_space<hbm>> -> memref<128xi32, #tpu.memory_space<hbm>>
        tpu.wait_dma2 semaphore(%arg14 : memref<!tpu.dma_semaphore, #tpu.memory_space<semaphore_mem>>) src(%dma_wait3A_94 : memref<128xi32, #tpu.memory_space<hbm>>) dst(%arg8 : memref<128xi32, #tpu.memory_space<vmem>>)
        %dma_wait3A_95 = arith.constant 0 : i32
        %dma_wait3A_96 = tpu.memref_slice %arg4[%dma_wait3A_95] : memref<163840xi32, #tpu.memory_space<hbm>> -> memref<128xi32, #tpu.memory_space<hbm>>
        %dma_wait3A_97 = arith.constant 0 : i32
        %dma_wait3A_98 = tpu.memref_slice %arg4[%dma_wait3A_97] : memref<163840xi32, #tpu.memory_space<hbm>> -> memref<128xi32, #tpu.memory_space<hbm>>
        tpu.wait_dma2 semaphore(%arg14 : memref<!tpu.dma_semaphore, #tpu.memory_space<semaphore_mem>>) src(%dma_wait3A_98 : memref<128xi32, #tpu.memory_space<hbm>>) dst(%arg10 : memref<128xi32, #tpu.memory_space<vmem>>)
        %dma_start3A_99 = arith.constant 0 : i32
        %dma_start3A_100 = arith.constant 0 : i32
        %dma_start3A_101 = tpu.memref_slice %arg2[%dma_start3A_99, %dma_start3A_100] : memref<20000x128xf32, #tpu.memory_space<hbm>> -> memref<20000x128xf32, #tpu.memory_space<hbm>>
        tpu.enqueue_indirect_dma source(%dma_start3A_101 : memref<20000x128xf32, #tpu.memory_space<hbm>>) target(%arg12 : memref<128x128xf32, #tpu.memory_space<vmem>>) offsets(%arg8 : memref<128xi32, #tpu.memory_space<vmem>>) semaphore(%arg15 : memref<!tpu.dma_semaphore, #tpu.memory_space<semaphore_mem>>)
      } else {
      }
    }
    %scan3A_26 = arith.constant 40 : i32
    %dma_wait3A_27 = arith.constant 0 : i32
    %dma_wait3A_28 = arith.constant 0 : i32
    %dma_wait3A_29 = tpu.memref_slice %arg7[%dma_wait3A_27, %dma_wait3A_28] : memref<10240x128xf32, #tpu.memory_space<vmem_shared>> -> memref<10240x128xf32, #tpu.memory_space<vmem_shared>>
    tpu.wait_indirect_dma semaphore(%arg16 : memref<!tpu.dma_semaphore, #tpu.memory_space<semaphore_mem>>) src(%arg13 : memref<128x128xf32, #tpu.memory_space<vmem>>) dst(%dma_wait3A_29 : memref<10240x128xf32, #tpu.memory_space<vmem_shared>>)
    %barrier3A_30 = arith.constant 0 : index
    tpu.barrier barrier_id(%barrier3A_30)
    %mul3A_31 = arith.constant 640 : i32
    %mul3A_32 = arith.muli %arg1, %mul3A_31 : i32
    %mul3A_33 = arith.constant 640 : i32
    %mul3A_34 = arith.muli %arg1, %mul3A_33 : i32
    "tpu.region"() ({
      %run_scoped3A = tpu.sem_alloc : memref<!tpu.dma_semaphore, #tpu.memory_space<semaphore_mem>>
      %dma_start3A_35 = arith.constant 0 : i32
      %dma_start3A_36 = tpu.memref_slice %arg6[%arg0, %mul3A_34, %dma_start3A_35] : memref<2x10240x128xf32, #tpu.memory_space<hbm>> -> memref<1x640x128xf32, #tpu.memory_space<hbm>>
      %dma_start3A_37 = tpu.memref_squeeze %dma_start3A_36 : memref<1x640x128xf32, #tpu.memory_space<hbm>> -> memref<640x128xf32, #tpu.memory_space<hbm>>
      %dma_start3A_38 = arith.constant 0 : i32
      %dma_start3A_39 = tpu.memref_slice %arg7[%mul3A_32, %dma_start3A_38] : memref<10240x128xf32, #tpu.memory_space<vmem_shared>> -> memref<640x128xf32, #tpu.memory_space<vmem_shared>>
      tpu.enqueue_dma source(%dma_start3A_39 : memref<640x128xf32, #tpu.memory_space<vmem_shared>>) target(%dma_start3A_37 : memref<640x128xf32, #tpu.memory_space<hbm>>) target_semaphore(%run_scoped3A : memref<!tpu.dma_semaphore, #tpu.memory_space<semaphore_mem>>)
      %dma_wait3A_40 = arith.constant 0 : i32
      %dma_wait3A_41 = tpu.memref_slice %arg6[%arg0, %mul3A_34, %dma_wait3A_40] : memref<2x10240x128xf32, #tpu.memory_space<hbm>> -> memref<1x640x128xf32, #tpu.memory_space<hbm>>
      %dma_wait3A_42 = tpu.memref_squeeze %dma_wait3A_41 : memref<1x640x128xf32, #tpu.memory_space<hbm>> -> memref<640x128xf32, #tpu.memory_space<hbm>>
      %dma_wait3A_43 = arith.constant 0 : i32
      %dma_wait3A_44 = tpu.memref_slice %arg7[%mul3A_32, %dma_wait3A_43] : memref<10240x128xf32, #tpu.memory_space<vmem_shared>> -> memref<640x128xf32, #tpu.memory_space<vmem_shared>>
      tpu.wait_dma2 semaphore(%run_scoped3A : memref<!tpu.dma_semaphore, #tpu.memory_space<semaphore_mem>>) src(%dma_wait3A_44 : memref<640x128xf32, #tpu.memory_space<vmem_shared>>) dst(%dma_wait3A_42 : memref<640x128xf32, #tpu.memory_space<hbm>>)
      tpu.yield
    }) : () -> ()
    return
  }
}

#map = affine_map<(d0, d1) -> (0, 0)>
#map1 = affine_map<(d0, d1) -> (0)>
#map2 = affine_map<(d0, d1) -> (0, 0, 0)>
module attributes {stable_mosaic.version = 14 : i64} {
  func.func @_agg2_body(%arg0: i32, %arg1: i32, %arg2: memref<10000x128xf32, #tpu.memory_space<hbm>>, %arg3: memref<163840xi32, #tpu.memory_space<hbm>>, %arg4: memref<163840xi32, #tpu.memory_space<hbm>>, %arg5: memref<640x128xf32, #tpu.memory_space<hbm>>, %arg6: memref<2x10240x128xf32, #tpu.memory_space<hbm>>, %arg7: memref<10240x128xf32, #tpu.memory_space<vmem_shared>>, %arg8: memref<128xi32, #tpu.memory_space<vmem>>, %arg9: memref<128xi32, #tpu.memory_space<vmem>>, %arg10: memref<128xi32, #tpu.memory_space<vmem>>, %arg11: memref<128xi32, #tpu.memory_space<vmem>>, %arg12: memref<128x128xf32, #tpu.memory_space<vmem>>, %arg13: memref<128x128xf32, #tpu.memory_space<vmem>>, %arg14: memref<!tpu.dma_semaphore, #tpu.memory_space<semaphore_mem>>, %arg15: memref<!tpu.dma_semaphore, #tpu.memory_space<semaphore_mem>>, %arg16: memref<!tpu.dma_semaphore, #tpu.memory_space<semaphore_mem>>) attributes {dimension_semantics = [#tpu.dimension_semantics<core_parallel>, #tpu.dimension_semantics<subcore_parallel>], iteration_bounds = array<i64: 2, 16>, scalar_prefetch = 0 : i64, scratch_operands = 10 : i64, tpu.core_type = #tpu.core_type<sc_vector_subcore>, window_params = [{transform_indices = #map}, {transform_indices = #map1}, {transform_indices = #map1}, {transform_indices = #map}, {transform_indices = #map2}]} {
    %mul3A = arith.constant 640 : i32
    %mul3A_0 = arith.muli %arg1, %mul3A : i32
    "tpu.region"() ({
      %run_scoped3A = tpu.sem_alloc : memref<!tpu.dma_semaphore, #tpu.memory_space<semaphore_mem>>
      %dma_start3A_37 = arith.constant 0 : i32
      %dma_start3A_38 = tpu.memref_slice %arg7[%mul3A_0, %dma_start3A_37] : memref<10240x128xf32, #tpu.memory_space<vmem_shared>> -> memref<640x128xf32, #tpu.memory_space<vmem_shared>>
      tpu.enqueue_dma source(%arg5 : memref<640x128xf32, #tpu.memory_space<hbm>>) target(%dma_start3A_38 : memref<640x128xf32, #tpu.memory_space<vmem_shared>>) target_semaphore(%run_scoped3A : memref<!tpu.dma_semaphore, #tpu.memory_space<semaphore_mem>>)
      %dma_wait3A_39 = arith.constant 0 : i32
      %dma_wait3A_40 = tpu.memref_slice %arg7[%mul3A_0, %dma_wait3A_39] : memref<10240x128xf32, #tpu.memory_space<vmem_shared>> -> memref<640x128xf32, #tpu.memory_space<vmem_shared>>
      tpu.wait_dma2 semaphore(%run_scoped3A : memref<!tpu.dma_semaphore, #tpu.memory_space<semaphore_mem>>) src(%arg5 : memref<640x128xf32, #tpu.memory_space<hbm>>) dst(%dma_wait3A_40 : memref<640x128xf32, #tpu.memory_space<vmem_shared>>)
      tpu.yield
    }) : () -> ()
    %barrier3A = arith.constant 0 : index
    tpu.barrier barrier_id(%barrier3A)
    %mul3A_1 = arith.constant 16 : i32
    %mul3A_2 = arith.muli %arg0, %mul3A_1 : i32
    %add3A = arith.addi %mul3A_2, %arg1 : i32
    %mul3A_3 = arith.constant 40 : i32
    %mul3A_4 = arith.muli %add3A, %mul3A_3 : i32
    %add3A_5 = arith.constant 0 : i32
    %add3A_6 = arith.addi %mul3A_4, %add3A_5 : i32
    %mul3A_7 = arith.constant 128 : i32
    %mul3A_8 = arith.muli %add3A_6, %mul3A_7 : i32
    %add3A_9 = arith.constant 0 : i32
    %add3A_10 = arith.addi %add3A_9, %mul3A_8 : i32
    %dma_start3A = tpu.memref_slice %arg3[%add3A_10] : memref<163840xi32, #tpu.memory_space<hbm>> -> memref<128xi32, #tpu.memory_space<hbm>>
    %dma_start3A_11 = tpu.memref_slice %arg3[%add3A_10] : memref<163840xi32, #tpu.memory_space<hbm>> -> memref<128xi32, #tpu.memory_space<hbm>>
    tpu.enqueue_dma source(%dma_start3A_11 : memref<128xi32, #tpu.memory_space<hbm>>) target(%arg8 : memref<128xi32, #tpu.memory_space<vmem>>) target_semaphore(%arg14 : memref<!tpu.dma_semaphore, #tpu.memory_space<semaphore_mem>>)
    %dma_start3A_12 = tpu.memref_slice %arg4[%mul3A_8] : memref<163840xi32, #tpu.memory_space<hbm>> -> memref<128xi32, #tpu.memory_space<hbm>>
    %dma_start3A_13 = tpu.memref_slice %arg4[%mul3A_8] : memref<163840xi32, #tpu.memory_space<hbm>> -> memref<128xi32, #tpu.memory_space<hbm>>
    tpu.enqueue_dma source(%dma_start3A_13 : memref<128xi32, #tpu.memory_space<hbm>>) target(%arg10 : memref<128xi32, #tpu.memory_space<vmem>>) target_semaphore(%arg14 : memref<!tpu.dma_semaphore, #tpu.memory_space<semaphore_mem>>)
    %dma_wait3A = arith.constant 0 : i32
    %dma_wait3A_14 = tpu.memref_slice %arg3[%dma_wait3A] : memref<163840xi32, #tpu.memory_space<hbm>> -> memref<128xi32, #tpu.memory_space<hbm>>
    %dma_wait3A_15 = arith.constant 0 : i32
    %dma_wait3A_16 = tpu.memref_slice %arg3[%dma_wait3A_15] : memref<163840xi32, #tpu.memory_space<hbm>> -> memref<128xi32, #tpu.memory_space<hbm>>
    tpu.wait_dma2 semaphore(%arg14 : memref<!tpu.dma_semaphore, #tpu.memory_space<semaphore_mem>>) src(%dma_wait3A_16 : memref<128xi32, #tpu.memory_space<hbm>>) dst(%arg8 : memref<128xi32, #tpu.memory_space<vmem>>)
    %dma_wait3A_17 = arith.constant 0 : i32
    %dma_wait3A_18 = tpu.memref_slice %arg4[%dma_wait3A_17] : memref<163840xi32, #tpu.memory_space<hbm>> -> memref<128xi32, #tpu.memory_space<hbm>>
    %dma_wait3A_19 = arith.constant 0 : i32
    %dma_wait3A_20 = tpu.memref_slice %arg4[%dma_wait3A_19] : memref<163840xi32, #tpu.memory_space<hbm>> -> memref<128xi32, #tpu.memory_space<hbm>>
    tpu.wait_dma2 semaphore(%arg14 : memref<!tpu.dma_semaphore, #tpu.memory_space<semaphore_mem>>) src(%dma_wait3A_20 : memref<128xi32, #tpu.memory_space<hbm>>) dst(%arg10 : memref<128xi32, #tpu.memory_space<vmem>>)
    %dma_start3A_21 = arith.constant 0 : i32
    %dma_start3A_22 = arith.constant 0 : i32
    %dma_start3A_23 = tpu.memref_slice %arg2[%dma_start3A_21, %dma_start3A_22] : memref<10000x128xf32, #tpu.memory_space<hbm>> -> memref<10000x128xf32, #tpu.memory_space<hbm>>
    tpu.enqueue_indirect_dma source(%dma_start3A_23 : memref<10000x128xf32, #tpu.memory_space<hbm>>) target(%arg12 : memref<128x128xf32, #tpu.memory_space<vmem>>) offsets(%arg8 : memref<128xi32, #tpu.memory_space<vmem>>) semaphore(%arg15 : memref<!tpu.dma_semaphore, #tpu.memory_space<semaphore_mem>>)
    %scan3A = arith.constant 0 : i32
    %scan3A_24 = arith.constant 0 : i32
    %scan3A_25 = arith.constant 20 : i32
    %scan3A_26 = arith.addi %scan3A_24, %scan3A_25 : i32
    %scan3A_27 = arith.constant 1 : i32
    scf.for %scan3A_37 = %scan3A_24 to %scan3A_26 step %scan3A_27  : i32 {
      %mul3A_38 = arith.constant 2 : i32
      %mul3A_39 = arith.muli %mul3A_38, %scan3A_37 : i32
      %add3A_40 = arith.constant 0 : i32
      %add3A_41 = arith.addi %mul3A_39, %add3A_40 : i32
      %gt3A = arith.constant 0 : i32
      %gt3A_42 = arith.cmpi sgt, %scan3A_37, %gt3A : i32
      %convert_element_type3A = arith.extui %gt3A_42 : i1 to i32
      %cond3A = arith.constant 0 : i32
      %cond3A_43 = arith.cmpi ne, %convert_element_type3A, %cond3A : i32
      scf.if %cond3A_43 {
        %dma_wait3A_94 = arith.constant 0 : i32
        %dma_wait3A_95 = arith.constant 0 : i32
        %dma_wait3A_96 = tpu.memref_slice %arg7[%dma_wait3A_94, %dma_wait3A_95] : memref<10240x128xf32, #tpu.memory_space<vmem_shared>> -> memref<10240x128xf32, #tpu.memory_space<vmem_shared>>
        tpu.wait_indirect_dma semaphore(%arg16 : memref<!tpu.dma_semaphore, #tpu.memory_space<semaphore_mem>>) src(%arg13 : memref<128x128xf32, #tpu.memory_space<vmem>>) dst(%dma_wait3A_96 : memref<10240x128xf32, #tpu.memory_space<vmem_shared>>)
      } else {
      }
      %add3A_44 = arith.constant 1 : i32
      %add3A_45 = arith.addi %add3A_41, %add3A_44 : i32
      %add3A_46 = arith.addi %mul3A_4, %add3A_45 : i32
      %mul3A_47 = arith.constant 128 : i32
      %mul3A_48 = arith.muli %add3A_46, %mul3A_47 : i32
      %add3A_49 = arith.constant 0 : i32
      %add3A_50 = arith.addi %add3A_49, %mul3A_48 : i32
      %dma_start3A_51 = tpu.memref_slice %arg3[%add3A_50] : memref<163840xi32, #tpu.memory_space<hbm>> -> memref<128xi32, #tpu.memory_space<hbm>>
      %dma_start3A_52 = tpu.memref_slice %arg3[%add3A_50] : memref<163840xi32, #tpu.memory_space<hbm>> -> memref<128xi32, #tpu.memory_space<hbm>>
      tpu.enqueue_dma source(%dma_start3A_52 : memref<128xi32, #tpu.memory_space<hbm>>) target(%arg9 : memref<128xi32, #tpu.memory_space<vmem>>) target_semaphore(%arg14 : memref<!tpu.dma_semaphore, #tpu.memory_space<semaphore_mem>>)
      %dma_start3A_53 = tpu.memref_slice %arg4[%mul3A_48] : memref<163840xi32, #tpu.memory_space<hbm>> -> memref<128xi32, #tpu.memory_space<hbm>>
      %dma_start3A_54 = tpu.memref_slice %arg4[%mul3A_48] : memref<163840xi32, #tpu.memory_space<hbm>> -> memref<128xi32, #tpu.memory_space<hbm>>
      tpu.enqueue_dma source(%dma_start3A_54 : memref<128xi32, #tpu.memory_space<hbm>>) target(%arg11 : memref<128xi32, #tpu.memory_space<vmem>>) target_semaphore(%arg14 : memref<!tpu.dma_semaphore, #tpu.memory_space<semaphore_mem>>)
      %dma_wait3A_55 = arith.constant 0 : i32
      %dma_wait3A_56 = arith.constant 0 : i32
      %dma_wait3A_57 = tpu.memref_slice %arg2[%dma_wait3A_55, %dma_wait3A_56] : memref<10000x128xf32, #tpu.memory_space<hbm>> -> memref<10000x128xf32, #tpu.memory_space<hbm>>
      tpu.wait_indirect_dma semaphore(%arg15 : memref<!tpu.dma_semaphore, #tpu.memory_space<semaphore_mem>>) src(%dma_wait3A_57 : memref<10000x128xf32, #tpu.memory_space<hbm>>) dst(%arg12 : memref<128x128xf32, #tpu.memory_space<vmem>>)
      %dma_start3A_58 = arith.constant 0 : i32
      %dma_start3A_59 = arith.constant 0 : i32
      %dma_start3A_60 = tpu.memref_slice %arg7[%dma_start3A_58, %dma_start3A_59] : memref<10240x128xf32, #tpu.memory_space<vmem_shared>> -> memref<10240x128xf32, #tpu.memory_space<vmem_shared>>
      tpu.enqueue_indirect_dma source(%arg12 : memref<128x128xf32, #tpu.memory_space<vmem>>) target(%dma_start3A_60 : memref<10240x128xf32, #tpu.memory_space<vmem_shared>>) offsets(%arg10 : memref<128xi32, #tpu.memory_space<vmem>>) semaphore(%arg16 : memref<!tpu.dma_semaphore, #tpu.memory_space<semaphore_mem>>) {add = true}
      %dma_wait3A_61 = arith.constant 0 : i32
      %dma_wait3A_62 = tpu.memref_slice %arg3[%dma_wait3A_61] : memref<163840xi32, #tpu.memory_space<hbm>> -> memref<128xi32, #tpu.memory_space<hbm>>
      %dma_wait3A_63 = arith.constant 0 : i32
      %dma_wait3A_64 = tpu.memref_slice %arg3[%dma_wait3A_63] : memref<163840xi32, #tpu.memory_space<hbm>> -> memref<128xi32, #tpu.memory_space<hbm>>
      tpu.wait_dma2 semaphore(%arg14 : memref<!tpu.dma_semaphore, #tpu.memory_space<semaphore_mem>>) src(%dma_wait3A_64 : memref<128xi32, #tpu.memory_space<hbm>>) dst(%arg9 : memref<128xi32, #tpu.memory_space<vmem>>)
      %dma_wait3A_65 = arith.constant 0 : i32
      %dma_wait3A_66 = tpu.memref_slice %arg4[%dma_wait3A_65] : memref<163840xi32, #tpu.memory_space<hbm>> -> memref<128xi32, #tpu.memory_space<hbm>>
      %dma_wait3A_67 = arith.constant 0 : i32
      %dma_wait3A_68 = tpu.memref_slice %arg4[%dma_wait3A_67] : memref<163840xi32, #tpu.memory_space<hbm>> -> memref<128xi32, #tpu.memory_space<hbm>>
      tpu.wait_dma2 semaphore(%arg14 : memref<!tpu.dma_semaphore, #tpu.memory_space<semaphore_mem>>) src(%dma_wait3A_68 : memref<128xi32, #tpu.memory_space<hbm>>) dst(%arg11 : memref<128xi32, #tpu.memory_space<vmem>>)
      %dma_start3A_69 = arith.constant 0 : i32
      %dma_start3A_70 = arith.constant 0 : i32
      %dma_start3A_71 = tpu.memref_slice %arg2[%dma_start3A_69, %dma_start3A_70] : memref<10000x128xf32, #tpu.memory_space<hbm>> -> memref<10000x128xf32, #tpu.memory_space<hbm>>
      tpu.enqueue_indirect_dma source(%dma_start3A_71 : memref<10000x128xf32, #tpu.memory_space<hbm>>) target(%arg13 : memref<128x128xf32, #tpu.memory_space<vmem>>) offsets(%arg9 : memref<128xi32, #tpu.memory_space<vmem>>) semaphore(%arg15 : memref<!tpu.dma_semaphore, #tpu.memory_space<semaphore_mem>>)
      %mul3A_72 = arith.constant 2 : i32
      %mul3A_73 = arith.muli %mul3A_72, %scan3A_37 : i32
      %add3A_74 = arith.constant 1 : i32
      %add3A_75 = arith.addi %mul3A_73, %add3A_74 : i32
      %dma_wait3A_76 = arith.constant 0 : i32
      %dma_wait3A_77 = arith.constant 0 : i32
      %dma_wait3A_78 = tpu.memref_slice %arg7[%dma_wait3A_76, %dma_wait3A_77] : memref<10240x128xf32, #tpu.memory_space<vmem_shared>> -> memref<10240x128xf32, #tpu.memory_space<vmem_shared>>
      tpu.wait_indirect_dma semaphore(%arg16 : memref<!tpu.dma_semaphore, #tpu.memory_space<semaphore_mem>>) src(%arg12 : memref<128x128xf32, #tpu.memory_space<vmem>>) dst(%dma_wait3A_78 : memref<10240x128xf32, #tpu.memory_space<vmem_shared>>)
      %lt3A = arith.constant 19 : i32
      %lt3A_79 = arith.cmpi slt, %scan3A_37, %lt3A : i32
      %convert_element_type3A_80 = arith.extui %lt3A_79 : i1 to i32
      %cond3A_81 = arith.constant 0 : i32
      %cond3A_82 = arith.cmpi ne, %convert_element_type3A_80, %cond3A_81 : i32
      scf.if %cond3A_82 {
        %add3A_94 = arith.constant 1 : i32
        %add3A_95 = arith.addi %add3A_75, %add3A_94 : i32
        %add3A_96 = arith.addi %mul3A_4, %add3A_95 : i32
        %mul3A_97 = arith.constant 128 : i32
        %mul3A_98 = arith.muli %add3A_96, %mul3A_97 : i32
        %add3A_99 = arith.constant 0 : i32
        %add3A_100 = arith.addi %add3A_99, %mul3A_98 : i32
        %dma_start3A_101 = tpu.memref_slice %arg3[%add3A_100] : memref<163840xi32, #tpu.memory_space<hbm>> -> memref<128xi32, #tpu.memory_space<hbm>>
        %dma_start3A_102 = tpu.memref_slice %arg3[%add3A_100] : memref<163840xi32, #tpu.memory_space<hbm>> -> memref<128xi32, #tpu.memory_space<hbm>>
        tpu.enqueue_dma source(%dma_start3A_102 : memref<128xi32, #tpu.memory_space<hbm>>) target(%arg8 : memref<128xi32, #tpu.memory_space<vmem>>) target_semaphore(%arg14 : memref<!tpu.dma_semaphore, #tpu.memory_space<semaphore_mem>>)
        %dma_start3A_103 = tpu.memref_slice %arg4[%mul3A_98] : memref<163840xi32, #tpu.memory_space<hbm>> -> memref<128xi32, #tpu.memory_space<hbm>>
        %dma_start3A_104 = tpu.memref_slice %arg4[%mul3A_98] : memref<163840xi32, #tpu.memory_space<hbm>> -> memref<128xi32, #tpu.memory_space<hbm>>
        tpu.enqueue_dma source(%dma_start3A_104 : memref<128xi32, #tpu.memory_space<hbm>>) target(%arg10 : memref<128xi32, #tpu.memory_space<vmem>>) target_semaphore(%arg14 : memref<!tpu.dma_semaphore, #tpu.memory_space<semaphore_mem>>)
      } else {
      }
      %dma_wait3A_83 = arith.constant 0 : i32
      %dma_wait3A_84 = arith.constant 0 : i32
      %dma_wait3A_85 = tpu.memref_slice %arg2[%dma_wait3A_83, %dma_wait3A_84] : memref<10000x128xf32, #tpu.memory_space<hbm>> -> memref<10000x128xf32, #tpu.memory_space<hbm>>
      tpu.wait_indirect_dma semaphore(%arg15 : memref<!tpu.dma_semaphore, #tpu.memory_space<semaphore_mem>>) src(%dma_wait3A_85 : memref<10000x128xf32, #tpu.memory_space<hbm>>) dst(%arg13 : memref<128x128xf32, #tpu.memory_space<vmem>>)
      %dma_start3A_86 = arith.constant 0 : i32
      %dma_start3A_87 = arith.constant 0 : i32
      %dma_start3A_88 = tpu.memref_slice %arg7[%dma_start3A_86, %dma_start3A_87] : memref<10240x128xf32, #tpu.memory_space<vmem_shared>> -> memref<10240x128xf32, #tpu.memory_space<vmem_shared>>
      tpu.enqueue_indirect_dma source(%arg13 : memref<128x128xf32, #tpu.memory_space<vmem>>) target(%dma_start3A_88 : memref<10240x128xf32, #tpu.memory_space<vmem_shared>>) offsets(%arg11 : memref<128xi32, #tpu.memory_space<vmem>>) semaphore(%arg16 : memref<!tpu.dma_semaphore, #tpu.memory_space<semaphore_mem>>) {add = true}
      %lt3A_89 = arith.constant 19 : i32
      %lt3A_90 = arith.cmpi slt, %scan3A_37, %lt3A_89 : i32
      %convert_element_type3A_91 = arith.extui %lt3A_90 : i1 to i32
      %cond3A_92 = arith.constant 0 : i32
      %cond3A_93 = arith.cmpi ne, %convert_element_type3A_91, %cond3A_92 : i32
      scf.if %cond3A_93 {
        %dma_wait3A_94 = arith.constant 0 : i32
        %dma_wait3A_95 = tpu.memref_slice %arg3[%dma_wait3A_94] : memref<163840xi32, #tpu.memory_space<hbm>> -> memref<128xi32, #tpu.memory_space<hbm>>
        %dma_wait3A_96 = arith.constant 0 : i32
        %dma_wait3A_97 = tpu.memref_slice %arg3[%dma_wait3A_96] : memref<163840xi32, #tpu.memory_space<hbm>> -> memref<128xi32, #tpu.memory_space<hbm>>
        tpu.wait_dma2 semaphore(%arg14 : memref<!tpu.dma_semaphore, #tpu.memory_space<semaphore_mem>>) src(%dma_wait3A_97 : memref<128xi32, #tpu.memory_space<hbm>>) dst(%arg8 : memref<128xi32, #tpu.memory_space<vmem>>)
        %dma_wait3A_98 = arith.constant 0 : i32
        %dma_wait3A_99 = tpu.memref_slice %arg4[%dma_wait3A_98] : memref<163840xi32, #tpu.memory_space<hbm>> -> memref<128xi32, #tpu.memory_space<hbm>>
        %dma_wait3A_100 = arith.constant 0 : i32
        %dma_wait3A_101 = tpu.memref_slice %arg4[%dma_wait3A_100] : memref<163840xi32, #tpu.memory_space<hbm>> -> memref<128xi32, #tpu.memory_space<hbm>>
        tpu.wait_dma2 semaphore(%arg14 : memref<!tpu.dma_semaphore, #tpu.memory_space<semaphore_mem>>) src(%dma_wait3A_101 : memref<128xi32, #tpu.memory_space<hbm>>) dst(%arg10 : memref<128xi32, #tpu.memory_space<vmem>>)
        %dma_start3A_102 = arith.constant 0 : i32
        %dma_start3A_103 = arith.constant 0 : i32
        %dma_start3A_104 = tpu.memref_slice %arg2[%dma_start3A_102, %dma_start3A_103] : memref<10000x128xf32, #tpu.memory_space<hbm>> -> memref<10000x128xf32, #tpu.memory_space<hbm>>
        tpu.enqueue_indirect_dma source(%dma_start3A_104 : memref<10000x128xf32, #tpu.memory_space<hbm>>) target(%arg12 : memref<128x128xf32, #tpu.memory_space<vmem>>) offsets(%arg8 : memref<128xi32, #tpu.memory_space<vmem>>) semaphore(%arg15 : memref<!tpu.dma_semaphore, #tpu.memory_space<semaphore_mem>>)
      } else {
      }
    }
    %scan3A_28 = arith.constant 20 : i32
    %dma_wait3A_29 = arith.constant 0 : i32
    %dma_wait3A_30 = arith.constant 0 : i32
    %dma_wait3A_31 = tpu.memref_slice %arg7[%dma_wait3A_29, %dma_wait3A_30] : memref<10240x128xf32, #tpu.memory_space<vmem_shared>> -> memref<10240x128xf32, #tpu.memory_space<vmem_shared>>
    tpu.wait_indirect_dma semaphore(%arg16 : memref<!tpu.dma_semaphore, #tpu.memory_space<semaphore_mem>>) src(%arg13 : memref<128x128xf32, #tpu.memory_space<vmem>>) dst(%dma_wait3A_31 : memref<10240x128xf32, #tpu.memory_space<vmem_shared>>)
    %barrier3A_32 = arith.constant 0 : index
    tpu.barrier barrier_id(%barrier3A_32)
    %mul3A_33 = arith.constant 640 : i32
    %mul3A_34 = arith.muli %arg1, %mul3A_33 : i32
    %mul3A_35 = arith.constant 640 : i32
    %mul3A_36 = arith.muli %arg1, %mul3A_35 : i32
    "tpu.region"() ({
      %run_scoped3A = tpu.sem_alloc : memref<!tpu.dma_semaphore, #tpu.memory_space<semaphore_mem>>
      %dma_start3A_37 = arith.constant 0 : i32
      %dma_start3A_38 = tpu.memref_slice %arg6[%arg0, %mul3A_36, %dma_start3A_37] : memref<2x10240x128xf32, #tpu.memory_space<hbm>> -> memref<1x640x128xf32, #tpu.memory_space<hbm>>
      %dma_start3A_39 = tpu.memref_squeeze %dma_start3A_38 : memref<1x640x128xf32, #tpu.memory_space<hbm>> -> memref<640x128xf32, #tpu.memory_space<hbm>>
      %dma_start3A_40 = arith.constant 0 : i32
      %dma_start3A_41 = tpu.memref_slice %arg7[%mul3A_34, %dma_start3A_40] : memref<10240x128xf32, #tpu.memory_space<vmem_shared>> -> memref<640x128xf32, #tpu.memory_space<vmem_shared>>
      tpu.enqueue_dma source(%dma_start3A_41 : memref<640x128xf32, #tpu.memory_space<vmem_shared>>) target(%dma_start3A_39 : memref<640x128xf32, #tpu.memory_space<hbm>>) target_semaphore(%run_scoped3A : memref<!tpu.dma_semaphore, #tpu.memory_space<semaphore_mem>>)
      %dma_wait3A_42 = arith.constant 0 : i32
      %dma_wait3A_43 = tpu.memref_slice %arg6[%arg0, %mul3A_36, %dma_wait3A_42] : memref<2x10240x128xf32, #tpu.memory_space<hbm>> -> memref<1x640x128xf32, #tpu.memory_space<hbm>>
      %dma_wait3A_44 = tpu.memref_squeeze %dma_wait3A_43 : memref<1x640x128xf32, #tpu.memory_space<hbm>> -> memref<640x128xf32, #tpu.memory_space<hbm>>
      %dma_wait3A_45 = arith.constant 0 : i32
      %dma_wait3A_46 = tpu.memref_slice %arg7[%mul3A_34, %dma_wait3A_45] : memref<10240x128xf32, #tpu.memory_space<vmem_shared>> -> memref<640x128xf32, #tpu.memory_space<vmem_shared>>
      tpu.wait_dma2 semaphore(%run_scoped3A : memref<!tpu.dma_semaphore, #tpu.memory_space<semaphore_mem>>) src(%dma_wait3A_46 : memref<640x128xf32, #tpu.memory_space<vmem_shared>>) dst(%dma_wait3A_44 : memref<640x128xf32, #tpu.memory_space<hbm>>)
      tpu.yield
    }) : () -> ()
    return
  }
}

module attributes {stable_mosaic.version = 14 : i64} {
  func.func @_mm1_body(%arg0: i32, %arg1: memref<1000x256xf32, #tpu.memory_space<vmem>>, %arg2: memref<256x256xf32, #tpu.memory_space<vmem>>, %arg3: memref<1000x16xf32, #tpu.memory_space<vmem>>, %arg4: memref<1000x16xf32, #tpu.memory_space<vmem>>, %arg5: memref<2x1000x128xf32, #tpu.memory_space<vmem>>) attributes {dimension_semantics = [#tpu.dimension_semantics<arbitrary>], iteration_bounds = array<i64: 10>, scalar_prefetch = 0 : i64, scratch_operands = 0 : i64, tpu.core_type = #tpu.core_type<tc>, window_params = [{transform_indices = @transform_0, window_bounds = array<i64: 1000, 256>}, {pipeline_mode = #tpu.pipeline_mode<synchronous>, transform_indices = @transform_1, window_bounds = array<i64: 256, 256>}, {transform_indices = @transform_2, window_bounds = array<i64: 1000, 16>}, {transform_indices = @transform_3, window_bounds = array<i64: 1000, 16>}, {transform_indices = @transform_4, window_bounds = array<i64: 2, 1000, 128>}]} {
    %get3A = arith.constant 0 : index
    %get3A_0 = arith.constant 0 : index
    %get3A_1 = vector.load %arg1[%get3A, %get3A_0] : memref<1000x256xf32, #tpu.memory_space<vmem>>, vector<1000x256xf32>
    %get3A_2 = arith.constant 0 : index
    %get3A_3 = arith.constant 0 : index
    %get3A_4 = vector.load %arg2[%get3A_2, %get3A_3] : memref<256x256xf32, #tpu.memory_space<vmem>>, vector<256x256xf32>
    %dot_general3A = arith.constant dense<0.000000e+00> : vector<1000x256xf32>
    %dot_general3A_5 = tpu.matmul %get3A_1, %get3A_4, %dot_general3A {dimension_numbers = #tpu.dot_dimension_numbers<[1], [0], [0], [1], [0, 0, 1, 1], [], []>, transpose_lhs_hint = false} : vector<1000x256xf32>, vector<256x256xf32>, vector<1000x256xf32> -> vector<1000x256xf32>
    %get3A_6 = arith.constant 0 : index
    %get3A_7 = arith.constant 0 : index
    %get3A_8 = vector.load %arg3[%get3A_6, %get3A_7] : memref<1000x16xf32, #tpu.memory_space<vmem>>, vector<1000x16xf32>
    %get3A_9 = arith.constant 0 : index
    %get3A_10 = arith.constant 0 : index
    %get3A_11 = vector.load %arg4[%get3A_9, %get3A_10] : memref<1000x16xf32, #tpu.memory_space<vmem>>, vector<1000x16xf32>
    %slice3A = vector.extract_strided_slice %get3A_8 {offsets = [0, 0], sizes = [1000, 1], strides = [1, 1]} : vector<1000x16xf32> to vector<1000x1xf32>
    %squeeze3A = vector.shape_cast %slice3A : vector<1000x1xf32> to vector<1000xf32>
    %slice3A_12 = vector.extract_strided_slice %get3A_11 {offsets = [0, 0], sizes = [1000, 1], strides = [1, 1]} : vector<1000x16xf32> to vector<1000x1xf32>
    %squeeze3A_13 = vector.shape_cast %slice3A_12 : vector<1000x1xf32> to vector<1000xf32>
    %add3A = arith.addf %squeeze3A, %squeeze3A_13 : vector<1000xf32>
    %add3A_14 = arith.constant 1.000000e+00 : f32
    %add3A_15 = vector.broadcast %add3A_14 : f32 to vector<1000xf32>
    %add3A_16 = arith.addf %add3A, %add3A_15 : vector<1000xf32>
    %rsqrt3A = math.rsqrt %add3A_16 : vector<1000xf32>
    %broadcast_in_dim3A = vector.shape_cast %rsqrt3A : vector<1000xf32> to vector<1000x1xf32>
    %mul3A = vector.broadcast %broadcast_in_dim3A : vector<1000x1xf32> to vector<1000x256xf32>
    %mul3A_17 = arith.mulf %dot_general3A_5, %mul3A : vector<1000x256xf32>
    %slice3A_18 = vector.extract_strided_slice %mul3A_17 {offsets = [0, 0], sizes = [1000, 128], strides = [1, 1]} : vector<1000x256xf32> to vector<1000x128xf32>
    %swap3A = arith.constant 0 : index
    %swap3A_19 = arith.constant 0 : index
    %swap3A_20 = arith.constant 0 : index
    %swap3A_21 = vector.load %arg5[%swap3A, %swap3A_19, %swap3A_20] : memref<2x1000x128xf32, #tpu.memory_space<vmem>>, vector<1x1000x128xf32>
    %swap3A_22 = vector.shape_cast %swap3A_21 : vector<1x1000x128xf32> to vector<1000x128xf32>
    %swap3A_23 = vector.shape_cast %slice3A_18 : vector<1000x128xf32> to vector<1x1000x128xf32>
    tpu.vector_store %arg5[%swap3A, %swap3A_19, %swap3A_20], %swap3A_23 {strides = array<i32>} : memref<2x1000x128xf32, #tpu.memory_space<vmem>>, vector<1x1000x128xf32>,
    %slice3A_24 = vector.extract_strided_slice %mul3A_17 {offsets = [0, 128], sizes = [1000, 128], strides = [1, 1]} : vector<1000x256xf32> to vector<1000x128xf32>
    %swap3A_25 = arith.constant 1 : index
    %swap3A_26 = arith.constant 0 : index
    %swap3A_27 = arith.constant 0 : index
    %swap3A_28 = vector.load %arg5[%swap3A_25, %swap3A_26, %swap3A_27] : memref<2x1000x128xf32, #tpu.memory_space<vmem>>, vector<1x1000x128xf32>
    %swap3A_29 = vector.shape_cast %swap3A_28 : vector<1x1000x128xf32> to vector<1000x128xf32>
    %swap3A_30 = vector.shape_cast %slice3A_24 : vector<1000x128xf32> to vector<1x1000x128xf32>
    tpu.vector_store %arg5[%swap3A_25, %swap3A_26, %swap3A_27], %swap3A_30 {strides = array<i32>} : memref<2x1000x128xf32, #tpu.memory_space<vmem>>, vector<1x1000x128xf32>,
    return
  }
  func.func @transform_0(%arg0: i32) -> (i32, i32) {
    %c0_i32 = arith.constant 0 : i32
    %c0_i32_0 = arith.constant 0 : i32
    return %arg0, %c0_i32 : i32, i32
  }
  func.func @transform_1(%arg0: i32) -> (i32, i32) {
    %c0_i32 = arith.constant 0 : i32
    %c0_i32_0 = arith.constant 0 : i32
    %c0_i32_1 = arith.constant 0 : i32
    return %c0_i32, %c0_i32_0 : i32, i32
  }
  func.func @transform_2(%arg0: i32) -> (i32, i32) {
    %c0_i32 = arith.constant 0 : i32
    %c0_i32_0 = arith.constant 0 : i32
    return %arg0, %c0_i32 : i32, i32
  }
  func.func @transform_3(%arg0: i32) -> (i32, i32) {
    %c0_i32 = arith.constant 0 : i32
    %c0_i32_0 = arith.constant 0 : i32
    return %arg0, %c0_i32 : i32, i32
  }
  func.func @transform_4(%arg0: i32) -> (i32, i32, i32) {
    %c0_i32 = arith.constant 0 : i32
    %c0_i32_0 = arith.constant 0 : i32
    %c0_i32_1 = arith.constant 0 : i32
    return %c0_i32, %arg0, %c0_i32_0 : i32, i32, i32
  }
}

module attributes {stable_mosaic.version = 14 : i64} {
  func.func @_fin_body(%arg0: i32, %arg1: memref<1000x128xf32, #tpu.memory_space<vmem>>, %arg2: memref<1000x128xf32, #tpu.memory_space<vmem>>, %arg3: memref<1000x128xf32, #tpu.memory_space<vmem>>, %arg4: memref<1000x16xf32, #tpu.memory_space<vmem>>, %arg5: memref<1000x16xf32, #tpu.memory_space<vmem>>, %arg6: memref<1x128xf32, #tpu.memory_space<vmem>>, %arg7: memref<1000x128xf32, #tpu.memory_space<vmem>>) attributes {dimension_semantics = [#tpu.dimension_semantics<arbitrary>], iteration_bounds = array<i64: 10>, scalar_prefetch = 0 : i64, scratch_operands = 0 : i64, tpu.core_type = #tpu.core_type<tc>, window_params = [{transform_indices = @transform_0, window_bounds = array<i64: 1000, 128>}, {transform_indices = @transform_1, window_bounds = array<i64: 1000, 128>}, {transform_indices = @transform_2, window_bounds = array<i64: 1000, 128>}, {transform_indices = @transform_3, window_bounds = array<i64: 1000, 16>}, {transform_indices = @transform_4, window_bounds = array<i64: 1000, 16>}, {pipeline_mode = #tpu.pipeline_mode<synchronous>, transform_indices = @transform_5, window_bounds = array<i64: 1, 128>}, {transform_indices = @transform_6, window_bounds = array<i64: 1000, 128>}]} {
    %get3A = arith.constant 0 : index
    %get3A_0 = arith.constant 0 : index
    %get3A_1 = vector.load %arg4[%get3A, %get3A_0] : memref<1000x16xf32, #tpu.memory_space<vmem>>, vector<1000x16xf32>
    %get3A_2 = arith.constant 0 : index
    %get3A_3 = arith.constant 0 : index
    %get3A_4 = vector.load %arg5[%get3A_2, %get3A_3] : memref<1000x16xf32, #tpu.memory_space<vmem>>, vector<1000x16xf32>
    %slice3A = vector.extract_strided_slice %get3A_1 {offsets = [0, 0], sizes = [1000, 1], strides = [1, 1]} : vector<1000x16xf32> to vector<1000x1xf32>
    %squeeze3A = vector.shape_cast %slice3A : vector<1000x1xf32> to vector<1000xf32>
    %slice3A_5 = vector.extract_strided_slice %get3A_4 {offsets = [0, 0], sizes = [1000, 1], strides = [1, 1]} : vector<1000x16xf32> to vector<1000x1xf32>
    %squeeze3A_6 = vector.shape_cast %slice3A_5 : vector<1000x1xf32> to vector<1000xf32>
    %add3A = arith.addf %squeeze3A, %squeeze3A_6 : vector<1000xf32>
    %add3A_7 = arith.constant 1.000000e+00 : f32
    %add3A_8 = vector.broadcast %add3A_7 : f32 to vector<1000xf32>
    %add3A_9 = arith.addf %add3A, %add3A_8 : vector<1000xf32>
    %rsqrt3A = math.rsqrt %add3A_9 : vector<1000xf32>
    %broadcast_in_dim3A = vector.shape_cast %rsqrt3A : vector<1000xf32> to vector<1000x1xf32>
    %get3A_10 = arith.constant 0 : index
    %get3A_11 = arith.constant 0 : index
    %get3A_12 = vector.load %arg1[%get3A_10, %get3A_11] : memref<1000x128xf32, #tpu.memory_space<vmem>>, vector<1000x128xf32>
    %get3A_13 = arith.constant 0 : index
    %get3A_14 = arith.constant 0 : index
    %get3A_15 = vector.load %arg2[%get3A_13, %get3A_14] : memref<1000x128xf32, #tpu.memory_space<vmem>>, vector<1000x128xf32>
    %add3A_16 = arith.addf %get3A_12, %get3A_15 : vector<1000x128xf32>
    %get3A_17 = arith.constant 0 : index
    %get3A_18 = arith.constant 0 : index
    %get3A_19 = vector.load %arg3[%get3A_17, %get3A_18] : memref<1000x128xf32, #tpu.memory_space<vmem>>, vector<1000x128xf32>
    %add3A_20 = arith.addf %add3A_16, %get3A_19 : vector<1000x128xf32>
    %mul3A = vector.broadcast %broadcast_in_dim3A : vector<1000x1xf32> to vector<1000x128xf32>
    %mul3A_21 = arith.mulf %mul3A, %add3A_20 : vector<1000x128xf32>
    %get3A_22 = arith.constant 0 : index
    %get3A_23 = arith.constant 0 : index
    %get3A_24 = vector.load %arg6[%get3A_22, %get3A_23] : memref<1x128xf32, #tpu.memory_space<vmem>>, vector<1x128xf32>
    %get3A_25 = vector.shape_cast %get3A_24 : vector<1x128xf32> to vector<128xf32>
    %broadcast_in_dim3A_26 = vector.shape_cast %get3A_25 : vector<128xf32> to vector<1x128xf32>
    %add3A_27 = vector.broadcast %broadcast_in_dim3A_26 : vector<1x128xf32> to vector<1000x128xf32>
    %add3A_28 = arith.addf %mul3A_21, %add3A_27 : vector<1000x128xf32>
    %swap3A = arith.constant 0 : index
    %swap3A_29 = arith.constant 0 : index
    %swap3A_30 = vector.load %arg7[%swap3A, %swap3A_29] : memref<1000x128xf32, #tpu.memory_space<vmem>>, vector<1000x128xf32>
    tpu.vector_store %arg7[%swap3A, %swap3A_29], %add3A_28 {strides = array<i32>} : memref<1000x128xf32, #tpu.memory_space<vmem>>, vector<1000x128xf32>,
    return
  }
  func.func @transform_0(%arg0: i32) -> (i32, i32) {
    %c0_i32 = arith.constant 0 : i32
    %c0_i32_0 = arith.constant 0 : i32
    return %arg0, %c0_i32 : i32, i32
  }
  func.func @transform_1(%arg0: i32) -> (i32, i32) {
    %c0_i32 = arith.constant 0 : i32
    %c0_i32_0 = arith.constant 0 : i32
    return %arg0, %c0_i32 : i32, i32
  }
  func.func @transform_2(%arg0: i32) -> (i32, i32) {
    %c0_i32 = arith.constant 0 : i32
    %c0_i32_0 = arith.constant 0 : i32
    return %arg0, %c0_i32 : i32, i32
  }
  func.func @transform_3(%arg0: i32) -> (i32, i32) {
    %c0_i32 = arith.constant 0 : i32
    %c0_i32_0 = arith.constant 0 : i32
    return %arg0, %c0_i32 : i32, i32
  }
  func.func @transform_4(%arg0: i32) -> (i32, i32) {
    %c0_i32 = arith.constant 0 : i32
    %c0_i32_0 = arith.constant 0 : i32
    return %arg0, %c0_i32 : i32, i32
  }
  func.func @transform_5(%arg0: i32) -> (i32, i32) {
    %c0_i32 = arith.constant 0 : i32
    %c0_i32_0 = arith.constant 0 : i32
    %c0_i32_1 = arith.constant 0 : i32
    return %c0_i32, %c0_i32_0 : i32, i32
  }
  func.func @transform_6(%arg0: i32) -> (i32, i32) {
    %c0_i32 = arith.constant 0 : i32
    %c0_i32_0 = arith.constant 0 : i32
    return %arg0, %c0_i32 : i32, i32
  }
}

module attributes {stable_mosaic.version = 14 : i64} {
  func.func @_mm2_body(%arg0: i32, %arg1: memref<1000x128xf32, #tpu.memory_space<vmem>>, %arg2: memref<1000x128xf32, #tpu.memory_space<vmem>>, %arg3: memref<2x1000x128xf32, #tpu.memory_space<vmem>>, %arg4: memref<1000x16xf32, #tpu.memory_space<vmem>>, %arg5: memref<1000x16xf32, #tpu.memory_space<vmem>>, %arg6: memref<256x128xf32, #tpu.memory_space<vmem>>, %arg7: memref<1x256xf32, #tpu.memory_space<vmem>>, %arg8: memref<1000x128xf32, #tpu.memory_space<vmem>>) attributes {dimension_semantics = [#tpu.dimension_semantics<arbitrary>], iteration_bounds = array<i64: 10>, scalar_prefetch = 0 : i64, scratch_operands = 0 : i64, tpu.core_type = #tpu.core_type<tc>, window_params = [{transform_indices = @transform_0, window_bounds = array<i64: 1000, 128>}, {transform_indices = @transform_1, window_bounds = array<i64: 1000, 128>}, {transform_indices = @transform_2, window_bounds = array<i64: 2, 1000, 128>}, {transform_indices = @transform_3, window_bounds = array<i64: 1000, 16>}, {transform_indices = @transform_4, window_bounds = array<i64: 1000, 16>}, {pipeline_mode = #tpu.pipeline_mode<synchronous>, transform_indices = @transform_5, window_bounds = array<i64: 256, 128>}, {pipeline_mode = #tpu.pipeline_mode<synchronous>, transform_indices = @transform_6, window_bounds = array<i64: 1, 256>}, {transform_indices = @transform_7, window_bounds = array<i64: 1000, 128>}]} {
    %get3A = arith.constant 0 : index
    %get3A_0 = arith.constant 0 : index
    %get3A_1 = vector.load %arg4[%get3A, %get3A_0] : memref<1000x16xf32, #tpu.memory_space<vmem>>, vector<1000x16xf32>
    %get3A_2 = arith.constant 0 : index
    %get3A_3 = arith.constant 0 : index
    %get3A_4 = vector.load %arg5[%get3A_2, %get3A_3] : memref<1000x16xf32, #tpu.memory_space<vmem>>, vector<1000x16xf32>
    %slice3A = vector.extract_strided_slice %get3A_1 {offsets = [0, 0], sizes = [1000, 1], strides = [1, 1]} : vector<1000x16xf32> to vector<1000x1xf32>
    %squeeze3A = vector.shape_cast %slice3A : vector<1000x1xf32> to vector<1000xf32>
    %slice3A_5 = vector.extract_strided_slice %get3A_4 {offsets = [0, 0], sizes = [1000, 1], strides = [1, 1]} : vector<1000x16xf32> to vector<1000x1xf32>
    %squeeze3A_6 = vector.shape_cast %slice3A_5 : vector<1000x1xf32> to vector<1000xf32>
    %add3A = arith.addf %squeeze3A, %squeeze3A_6 : vector<1000xf32>
    %add3A_7 = arith.constant 1.000000e+00 : f32
    %add3A_8 = vector.broadcast %add3A_7 : f32 to vector<1000xf32>
    %add3A_9 = arith.addf %add3A, %add3A_8 : vector<1000xf32>
    %rsqrt3A = math.rsqrt %add3A_9 : vector<1000xf32>
    %broadcast_in_dim3A = vector.shape_cast %rsqrt3A : vector<1000xf32> to vector<1000x1xf32>
    %get3A_10 = arith.constant 0 : index
    %get3A_11 = arith.constant 0 : index
    %get3A_12 = vector.load %arg1[%get3A_10, %get3A_11] : memref<1000x128xf32, #tpu.memory_space<vmem>>, vector<1000x128xf32>
    %get3A_13 = arith.constant 0 : index
    %get3A_14 = arith.constant 0 : index
    %get3A_15 = arith.constant 0 : index
    %get3A_16 = vector.load %arg3[%get3A_13, %get3A_14, %get3A_15] : memref<2x1000x128xf32, #tpu.memory_space<vmem>>, vector<1x1000x128xf32>
    %get3A_17 = vector.shape_cast %get3A_16 : vector<1x1000x128xf32> to vector<1000x128xf32>
    %add3A_18 = arith.addf %get3A_12, %get3A_17 : vector<1000x128xf32>
    %mul3A = vector.broadcast %broadcast_in_dim3A : vector<1000x1xf32> to vector<1000x128xf32>
    %mul3A_19 = arith.mulf %mul3A, %add3A_18 : vector<1000x128xf32>
    %get3A_20 = arith.constant 0 : index
    %get3A_21 = arith.constant 0 : index
    %get3A_22 = vector.load %arg7[%get3A_20, %get3A_21] : memref<1x256xf32, #tpu.memory_space<vmem>>, vector<1x128xf32>
    %get3A_23 = vector.shape_cast %get3A_22 : vector<1x128xf32> to vector<128xf32>
    %broadcast_in_dim3A_24 = vector.shape_cast %get3A_23 : vector<128xf32> to vector<1x128xf32>
    %add3A_25 = vector.broadcast %broadcast_in_dim3A_24 : vector<1x128xf32> to vector<1000x128xf32>
    %add3A_26 = arith.addf %mul3A_19, %add3A_25 : vector<1000x128xf32>
    %max3A = arith.constant 0.000000e+00 : f32
    %max3A_27 = vector.broadcast %max3A : f32 to vector<1000x128xf32>
    %max3A_28 = arith.maximumf %add3A_26, %max3A_27 : vector<1000x128xf32>
    %get3A_29 = arith.constant 0 : index
    %get3A_30 = arith.constant 0 : index
    %get3A_31 = vector.load %arg2[%get3A_29, %get3A_30] : memref<1000x128xf32, #tpu.memory_space<vmem>>, vector<1000x128xf32>
    %get3A_32 = arith.constant 1 : index
    %get3A_33 = arith.constant 0 : index
    %get3A_34 = arith.constant 0 : index
    %get3A_35 = vector.load %arg3[%get3A_32, %get3A_33, %get3A_34] : memref<2x1000x128xf32, #tpu.memory_space<vmem>>, vector<1x1000x128xf32>
    %get3A_36 = vector.shape_cast %get3A_35 : vector<1x1000x128xf32> to vector<1000x128xf32>
    %add3A_37 = arith.addf %get3A_31, %get3A_36 : vector<1000x128xf32>
    %mul3A_38 = vector.broadcast %broadcast_in_dim3A : vector<1000x1xf32> to vector<1000x128xf32>
    %mul3A_39 = arith.mulf %mul3A_38, %add3A_37 : vector<1000x128xf32>
    %get3A_40 = arith.constant 0 : index
    %get3A_41 = arith.constant 128 : index
    %get3A_42 = vector.load %arg7[%get3A_40, %get3A_41] : memref<1x256xf32, #tpu.memory_space<vmem>>, vector<1x128xf32>
    %get3A_43 = vector.shape_cast %get3A_42 : vector<1x128xf32> to vector<128xf32>
    %broadcast_in_dim3A_44 = vector.shape_cast %get3A_43 : vector<128xf32> to vector<1x128xf32>
    %add3A_45 = vector.broadcast %broadcast_in_dim3A_44 : vector<1x128xf32> to vector<1000x128xf32>
    %add3A_46 = arith.addf %mul3A_39, %add3A_45 : vector<1000x128xf32>
    %max3A_47 = arith.constant 0.000000e+00 : f32
    %max3A_48 = vector.broadcast %max3A_47 : f32 to vector<1000x128xf32>
    %max3A_49 = arith.maximumf %add3A_46, %max3A_48 : vector<1000x128xf32>
    %concatenate3A = tpu.concatenate %max3A_28, %max3A_49 in 1 : vector<1000x128xf32>, vector<1000x128xf32> -> vector<1000x256xf32>
    %get3A_50 = arith.constant 0 : index
    %get3A_51 = arith.constant 0 : index
    %get3A_52 = vector.load %arg6[%get3A_50, %get3A_51] : memref<256x128xf32, #tpu.memory_space<vmem>>, vector<256x128xf32>
    %dot_general3A = arith.constant dense<0.000000e+00> : vector<1000x128xf32>
    %dot_general3A_53 = tpu.matmul %concatenate3A, %get3A_52, %dot_general3A {dimension_numbers = #tpu.dot_dimension_numbers<[1], [0], [0], [1], [0, 0, 1, 1], [], []>, transpose_lhs_hint = false} : vector<1000x256xf32>, vector<256x128xf32>, vector<1000x128xf32> -> vector<1000x128xf32>
    %mul3A_54 = vector.broadcast %broadcast_in_dim3A : vector<1000x1xf32> to vector<1000x128xf32>
    %mul3A_55 = arith.mulf %dot_general3A_53, %mul3A_54 : vector<1000x128xf32>
    %swap3A = arith.constant 0 : index
    %swap3A_56 = arith.constant 0 : index
    %swap3A_57 = vector.load %arg8[%swap3A, %swap3A_56] : memref<1000x128xf32, #tpu.memory_space<vmem>>, vector<1000x128xf32>
    tpu.vector_store %arg8[%swap3A, %swap3A_56], %mul3A_55 {strides = array<i32>} : memref<1000x128xf32, #tpu.memory_space<vmem>>, vector<1000x128xf32>,
    return
  }
  func.func @transform_0(%arg0: i32) -> (i32, i32) {
    %c0_i32 = arith.constant 0 : i32
    %c0_i32_0 = arith.constant 0 : i32
    return %arg0, %c0_i32 : i32, i32
  }
  func.func @transform_1(%arg0: i32) -> (i32, i32) {
    %c0_i32 = arith.constant 0 : i32
    %c0_i32_0 = arith.constant 0 : i32
    return %arg0, %c0_i32 : i32, i32
  }
  func.func @transform_2(%arg0: i32) -> (i32, i32, i32) {
    %c0_i32 = arith.constant 0 : i32
    %c0_i32_0 = arith.constant 0 : i32
    %c0_i32_1 = arith.constant 0 : i32
    return %c0_i32, %arg0, %c0_i32_0 : i32, i32, i32
  }
  func.func @transform_3(%arg0: i32) -> (i32, i32) {
    %c0_i32 = arith.constant 0 : i32
    %c0_i32_0 = arith.constant 0 : i32
    return %arg0, %c0_i32 : i32, i32
  }
  func.func @transform_4(%arg0: i32) -> (i32, i32) {
    %c0_i32 = arith.constant 0 : i32
    %c0_i32_0 = arith.constant 0 : i32
    return %arg0, %c0_i32 : i32, i32
  }
  func.func @transform_5(%arg0: i32) -> (i32, i32) {
    %c0_i32 = arith.constant 0 : i32
    %c0_i32_0 = arith.constant 0 : i32
    %c0_i32_1 = arith.constant 0 : i32
    return %c0_i32, %c0_i32_0 : i32, i32
  }
  func.func @transform_6(%arg0: i32) -> (i32, i32) {
    %c0_i32 = arith.constant 0 : i32
    %c0_i32_0 = arith.constant 0 : i32
    %c0_i32_1 = arith.constant 0 : i32
    return %c0_i32, %c0_i32_0 : i32, i32
  }
  func.func @transform_7(%arg0: i32) -> (i32, i32) {
    %c0_i32 = arith.constant 0 : i32
    %c0_i32_0 = arith.constant 0 : i32
    return %arg0, %c0_i32 : i32, i32
  }
}

</mosaic_0001>

<sc_bundles>
// kernel: kernel.11.cloned.1.call-start
scs
__scs_entry_jumppad:
0x0: {  	(pc) =	sbr.rel $0x88, $3  }
0x1: {  	(tag) =	ssettag $0x0;
	lr =	simm.s32 $0x1  }
0x2: {  	[smem:$0x3F9B] =	sst lr;
	_ =	strace $0xD0000000  }
0x3: {  	_ = 	snop  }
0x4: {  	_ = 	snop  }
0x5: {  	_ = 	snop  }
0x6: {  	_ = 	snop  }
0x7: {  	_ = 	snop  }
__scs_overlays_trampoline_lowered:
0x8: {  	[smem:$0x3FAA] =	sst s0  }
0x9: {  	[smem:$0x3FAB] =	sst s1  }
0xa: {  	[smem:$0x3FAC] =	sst s2  }
0xb: {  	[smem:$0x3FAD] =	sst s3  }
0xc: {  	[smem:$0x3FAE] =	sst s4  }
0xd: {  	[smem:$0x3FAF] =	sst s5  }
0xe: {  	[smem:$0x3FB0] =	sst s6  }
0xf: {  	[smem:$0x3FB1] =	sst s7  }
0x10: {  	[smem:$0x3FB2] =	sst s8  }
0x11: {  	[smem:$0x3FB3] =	sst s9;
	s0 =	simm.s32 @!p0 $0x0  }
0x12: {  	s1 =	sld [smem:$0x3F99];
	s0 =	simm.s32 @p0 $0x1  }
0x13: {  	[smem:$0x3FB4] =	sst s0;
	s0 =	simm.s32 @!p1 $0x0  }
0x14: {  	s2 =	sld [smem:$0x3F98];
	s0 =	simm.s32 @p1 $0x1  }
0x15: {  	[smem:$0x3FB5] =	sst s0;
	s0 =	simm.s32 @!p2 $0x0  }
0x16: {  	s3 =	sld [smem:$0x3FDB];
	s0 =	simm.s32 @p2 $0x1  }
0x17: {  	s4 =	simm.s32 $0x1BF5;
	[smem:$0x3FB7] =	sst s0  }
0x18: {  	s0 =	sld [smem:$0x3F9A];
	_ =	swait.ge [sflag:s4], $0x0  }
0x19: {  	s7 =	sld [smem:$0x3F9B]  }
0x1a: {  	s8 =	sadd.s32 $0xFFFFE003, lr  }
0x1b: {  	s9 =	sadd.s32 $0xFFFFFEF7, lr;
	s5 =	simm.s32 $0xFFFFFFFF;
	p2 =	slt.u32 s8, $0xFFFFF086  }
0x1c: {  	p1 =	slt.u32 s9, $0xF7A;
	s5 =	simm.s32 @!p2 $0x0  }
0x1d: {  	s5 =	simm.s32 @p1 $0x1;
	p0 =	seq.s32 s7, s2  }
0x1e: {  	s7 =	smul.u32 @!p0 $0xF7A, s2;
	p2 =	seq.s32 @!p0 s5, $0x0  }
0x1f: {  	s9 =	smul.u32 $0xF7A, s1;
	s8 =	simm.s32 @!p0 $0x1BF5;
	p2 =	por !p2, p0  }
0x20: {  	[sflag:s8] =	ssyncset.s32 @!p0 $0xFFFFF086;
	s6 =	sadd.s32 @!p0 s3, s7;
	s7 =	simm.s32 @!p0 $0x108  }
0x21: {  	s3 =	sadd.s32 s3, s9;
	s6 =	sadd.s32 @!p0 $0x88, s6;
	s7 =	simm.s32 @p2 $0x1082  }
0x22: {  	[simem:s7], [sflag:s8] =	dma.local @!p0 [hbm:s6], $0xF7A  }
0x23: {  	s9 =	sor.u32 $0xD0000000, s2;
	s6 =	simm.s32 $0x108;
	_ =	swait.ge @!p0 [sflag:s8], $0x0  }
0x24: {  	s3 =	sadd.s32 $0x88, s3;
	s6 =	simm.s32 @!p1 $0x1082;
	[sflag:s4] =	ssyncset.s32 $0xFFFFF086  }
0x25: {  	[simem:s6], [sflag:s4] =	dma.local [hbm:s3], $0xF7A  }
0x26: {  	[smem:$0x3F9B] =	sst s1;
	(tag) =	ssettag s2;
	_ =	strace s9  }
0x27: {  	s1 =	sld [smem:$0x3FAB]  }
0x28: {  	s2 =	sld [smem:$0x3FAC]  }
0x29: {  	s4 =	sld [smem:$0x3FAE]  }
0x2a: {  	p0 =	seq.s32 s5, $0x0;
	s5 =	sld [smem:$0x3FAF]  }
0x2b: {  	s6 =	sld [smem:$0x3FB0]  }
0x2c: {  	s7 =	sld [smem:$0x3FB1]  }
0x2d: {  	s3 =	simm.s32 $0x108;
	s8 =	sld [smem:$0x3FB2]  }
0x2e: {  	s3 =	simm.s32 @!p0 $0x1082;
	s9 =	sld [smem:$0x3FB3]  }
0x2f: {  	lr =	sadd.s32 s0, s3;
	s0 =	sld [smem:$0x3FAA]  }
0x30: {  	s3 =	sld [smem:$0x3FAD]  }
0x31: {  	[smem:$0x3FB6] =	sst s10  }
0x32: {  	s10 =	sld [smem:$0x3FB4];
	_ =	sdelay $0x3  }
0x33: {  	p0 =	seq.s32 s10, $0x1;
	s10 =	sld [smem:$0x3FB6];
	_ =	sdelay $0x3  }
0x34: {  	[smem:$0x3FB6] =	sst s10  }
0x35: {  	s10 =	sld [smem:$0x3FB5];
	_ =	sdelay $0x3  }
0x36: {  	p1 =	seq.s32 s10, $0x1;
	s10 =	sld [smem:$0x3FB6];
	_ =	sdelay $0x3  }
0x37: {  	[smem:$0x3FB6] =	sst s10  }
0x38: {  	s10 =	sld [smem:$0x3FB7]  }
0x39: {  	_ = 	snop;
	(pc) =	sbr.ind lr, $3  }
0x3a: {  	_ = 	snop  }
0x3b: {  	_ = 	snop  }
0x3c: {  	p2 =	seq.s32 s10, $0x1;
	s10 =	sld [smem:$0x3FB6]  }
0x3d: {  	_ =	shalt  }
0x3e: {  	_ =	shalt  }
0x3f: {  	_ =	shalt  }
0x40: {  	_ =	shalt  }
0x41: {  	_ =	shalt  }
0x42: {  	_ =	shalt  }
0x43: {  	_ =	shalt  }
0x44: {  	_ =	shalt  }
0x45: {  	_ =	shalt  }
0x46: {  	_ =	shalt  }
0x47: {  	_ =	shalt  }
0x48: {  	_ =	shalt  }
0x49: {  	_ =	shalt  }
0x4a: {  	_ =	shalt  }
0x4b: {  	_ =	shalt  }
0x4c: {  	_ =	shalt  }
0x4d: {  	_ =	shalt  }
0x4e: {  	_ =	shalt  }
0x4f: {  	_ =	shalt  }
0x50: {  	_ =	shalt  }
0x51: {  	_ =	shalt  }
0x52: {  	_ =	shalt  }
0x53: {  	_ =	shalt  }
0x54: {  	_ =	shalt  }
0x55: {  	_ =	shalt  }
0x56: {  	_ =	shalt  }
0x57: {  	_ =	shalt  }
0x58: {  	_ =	shalt  }
0x59: {  	_ =	shalt  }
0x5a: {  	_ =	shalt  }
0x5b: {  	_ =	shalt  }
0x5c: {  	_ =	shalt  }
0x5d: {  	_ =	shalt  }
0x5e: {  	_ =	shalt  }
0x5f: {  	_ =	shalt  }
0x60: {  	_ =	shalt  }
0x61: {  	_ =	shalt  }
0x62: {  	_ =	shalt  }
0x63: {  	_ =	shalt  }
0x64: {  	_ =	shalt  }
0x65: {  	_ =	shalt  }
0x66: {  	_ =	shalt  }
0x67: {  	_ =	shalt  }
0x68: {  	_ =	shalt  }
0x69: {  	_ =	shalt  }
0x6a: {  	_ =	shalt  }
0x6b: {  	_ =	shalt  }
0x6c: {  	_ =	shalt  }
0x6d: {  	_ =	shalt  }
0x6e: {  	_ =	shalt  }
0x6f: {  	_ =	shalt  }
0x70: {  	_ =	shalt  }
0x71: {  	_ =	shalt  }
0x72: {  	_ =	shalt  }
0x73: {  	_ =	shalt  }
0x74: {  	_ =	shalt  }
0x75: {  	_ =	shalt  }
0x76: {  	_ =	shalt  }
0x77: {  	_ =	shalt  }
0x78: {  	_ =	shalt  }
0x79: {  	_ =	shalt  }
0x7a: {  	_ =	shalt  }
0x7b: {  	_ =	shalt  }
0x7c: {  	_ =	shalt  }
0x7d: {  	_ =	shalt  }
0x7e: {  	_ =	shalt  }
0x7f: {  	_ =	shalt  }
0x80: {  	_ =	shalt  }
0x81: {  	_ =	shalt  }
0x82: {  	_ =	shalt  }
0x83: {  	_ =	shalt  }
0x84: {  	_ =	shalt  }
0x85: {  	_ =	shalt  }
0x86: {  	_ =	shalt  }
0x87: {  	_ =	shalt  }
.Lfunc_end0:
.L_simem_size_0:
called_computation.1_lowered:
.L_overlay_start_0:
0x88: {  	s2 =	sld [smem:$0x3FD9]  }
0x89: {  	s3 =	sld [smem:$0x3FFE];
	_ =	sdelay $0x1  }
0x8a: {  	s1 =	srdreg.scid  }
0x8b: {  	s0 =	sand.u32 $0x1, s1  }
0x8c: {  	s17 =	sshll.u32 s0, $0xA;
	s2 =	sadd.s32 s3, s2  }
0x8d: {  	s2 =	sadd.s32 s2, s17  }
0x8e: {  	[smem:$0x3FC2] =	sst s2  }
0x8f: {  	_ = 	snop  }
0x90: {  	s2 =	sld [smem:$0x3FD0];
	(tm) =	ssettm $0x1  }
0x91: {  	s18 =	sld [smem:$0x3FFB];
	_ =	sdelay $0x3  }
0x92: {  	_ =	strace s18  }
0x93: {  	s3 =	sld [smem:$0x3FFC];
	_ =	sdelay $0x3  }
0x94: {  	_ =	strace s3  }
0x95: {  	s3 =	sld [smem:$0x3FFD];
	_ =	sdelay $0x3  }
0x96: {  	_ =	strace s3  }
0x97: {  	_ =	strace $0x8FFFFFFF  }
0x98: {  	s19 =	sld [smem:$0x3FDB];
	_ =	sdelay $0x1  }
0x99: {  	s4 =	simm.s32 $_scs_section_size  }
0x9a: {  	s5 =	simm.s32 $_size__tile_overlayer_lowered;
	s6 =	simm.s32 $_tile_overlayer_lowered  }
0x9b: {  	s22 =	simm.s32 $0x1BFF;
	s21 =	sshll.u32 s6, $0x1;
	s3 =	sadd.s32 s4, s19  }
0x9c: {  	s7 =	simm.s32 $0x0;
	s20 =	sshll.u32 s5, $0x1;
	s5 =	sadd.s32 s21, s3  }
0x9d: {  	[timem:s7], [sflag:s22] =	dma.local [hbm:s5], s20  }
0x9e: {  	_ =	swait.ge [sflag:s22], s20  }
0x9f: {  	s4 =	ssub.s32 $0x0, s20;
	[sflag:s22] =	ssyncset.done $0x0  }
0xa0: {  	[sflag:s22] =	ssyncadd.s32 s4;
	_ =	sdelay $0x1  }
0xa1: {  	s23 =	simm.s32 $0x1B8B  }
0xa2: {  	_ =	swait.ge [sflag:s23], $0x1  }
0xa3: {  	[sflag:s23] =	ssyncset.done $0x0  }
0xa4: {  	s25 =	simm.s32 $0x1B8E;
	s24 =	sld [smem:$0x3FFE];
	[sflag:s23] =	ssyncadd.s32 $0xFFFFFFFF  }
0xa5: {  	s26 =	simm.s32 $execute0_lowered;
	[smem:$0x3FD2] =	sst s25  }
0xa6: {  	s5 =	sshll.u32 s26, $0x1;
	_ =	strace $0x80000049;
	[dreg:$0x1] =	wrdreg $0xFFFFFFFF  }
0xa7: {  	s28 =	simm.s32 $_size_execute0_lowered;
	s3 =	sadd.s32 s3, s5;
	[dreg:$0x0] =	wrdreg $0x0  }
0xa8: {  	s5 =	sshll.u32 s28, $0x1;
	[dreg:$0x2] =	wrdreg s3  }
0xa9: {  	[dreg:$0x3] =	wrdreg s5  }
0xaa: {  	[dreg:$0x4] =	wrdreg $0xC0  }
0xab: {  	_ =	task [dreg:s7], $0x5FFFF  }
0xac: {  	[dreg:$0x1] =	wrdreg $0xFFFFFFFF  }
0xad: {  	[dreg:$0x0] =	wrdreg $0x60  }
0xae: {  	[dreg:$0x2] =	wrdreg s24  }
0xaf: {  	[dreg:$0x3] =	wrdreg s2  }
0xb0: {  	[dreg:$0x4] =	wrdreg $0x0  }
0xb1: {  	[dreg:$0x5] =	wrdreg $0x9  }
0xb2: {  	_ =	task.clear_ibuf [dreg:s7], $0x6FFFF;
	_ =	strace $0x90000049  }
0xb3: {  	s29 =	simm.s32 $0x9;
	_ =	strace $0x8000004B  }
0xb4: {  	_ =	swait.ge [sflag:s29], $0x1  }
0xb5: {  	[sflag:s29] =	ssyncadd.s32 $0xFFFFFFFF  }
0xb6: {  	_ =	strace $0x9000004B  }
0xb7: {  	_ =	sfence  }
0xb8: {  	s30 =	sld [smem:$0x0];
	_ =	sdelay $0x2  }
0xb9: {  	s31 =	sshll.u32 s1, $0xD;
	s1 =	sshrl.u32 s1, $0x2  }
0xba: {  	s3 =	sand.u32 $0x4000, s31;
	s1 =	sadd.s32 s1, s30  }
0xbb: {  	s0 =	sor.u32 s3, s0;
	s1 =	sshll.u32 s1, $0x11  }
0xbc: {  	s0 =	sor.u32 s1, s0  }
0xbd: {  	s0 =	sadd.s32 $0x8F2B, s0  }
0xbe: {  	[sflag:s0] =	ssyncadd.remote.s32 $0x1  }
0xbf: {  	_ =	sfence.sel $0xFFFF  }
0xc0: {  	[dreg:$0x0] =	wrdreg $0xFFFFFFFF;
	(pc) =	sbr.abs _section_cstart, $3  }
0xc1: {  	[dreg:$0x1] =	wrdreg $0xFFFFFFFF  }
0xc2: {  	_ =	task.clear_ibuf [dreg:s7], $0x2FFFF;
	_ =	strace $0x9FFFFFFF  }
0xc3: {  	(tm) =	ssettm $0x7FFFFFFF  }
tec
execute0_lowered:
.L_overlay_start_1:
0x0: {  	(tag) =	ssettag $0x1  }
0x1: {  	s0 =	rddreg [dreg:$0x0]  }
0x2: {  	s2 =	rddreg [dreg:$0x1]  }
0x3: {  	s1 =	rddreg [dreg:$0x2];
	s5 =	stileid.u32  }
0x4: {  	s3 =	srdreg.scid;
	s8 =	smul.u32 $0x14000, s5  }
0x5: {  	s28 =	simm.s32 $0x2;
	s29 =	simm.s32 $0x18200;
	s25 =	smul.u32 $0x50000, s5  }
0x6: {  	s30 =	simm.s32 $0x3;
	s31 =	simm.s32 $0x0;
	s10 =	smul.u32 $0x2800, s5  }
0x7: {  	s6 =	sand.u32 $0x1, s3;
	s3 =	simm.s32 $0x0;
	s14 =	smul.u32 $0x50, s5  }
0x8: {  	s4 =	sadd.s32 $0x5EC00, s0;
	s15 =	sadd.s32 $0x1C00, s0;
	s24 =	smul.u32 $0x500, s5  }
0x9: {  	s9 =	sadd.s32 $0x7400, s0;
	s13 =	sshll.u32 s5, $0x6;
	s7 =	smul.u32 $0x140000, s6  }
0xa: {  	[smem:$0x7FF] =	sst s3;
	s26 =	ssub.s32 $0x2, s6;
	s11 =	smul.u32 $0x28000, s6  }
0xb: {  	s6 =	sor.u32 $0x1C04, s13;
	_ =	strace $0x8000004A;
	[dreg:$0x4] =	wrdreg s9  }
0xc: {  	s12 =	sshrl.u32 s26, $0x1;
	s19 =	sshrl.u32 s10, $0x3;
	s13 =	sor.u32 $0x1, s14  }
0xd: {  	s14 =	sor.u32 $0x2, s14;
	s7 =	sadd.s32 s8, s7;
	s8 =	sshrl.u32 s25, $0x2  }
0xe: {  	s12 =	ssub.s32 s26, s12;
	s16 =	sadd.s32 s10, s11;
	s20 =	sshll.u32 s13, $0x7  }
0xf: {  	s21 =	sshll.u32 s14, $0x7;
	s13 =	sshll.u32 s13, $0x4;
	s23 =	sshll.u32 s14, $0x4  }
0x10: {  	s7 =	sshrl.u32 s7, $0x3;
	s18 =	sadd.s32 s8, s1;
	s17 =	sshrl.u32 s16, $0x3  }
0x11: {  	s8 =	sadd.s32 s15, s19;
	s10 =	smax.u32 s12, $0x1;
	s12 =	sadd.s32 s15, s13  }
0x12: {  	s14 =	sadd.s32 s15, s23;
	s25 =	sor.u32 $0x200, s16;
	s16 =	sor.u32 $0x180, s16  }
0x13: {  	s15 =	sadd.s32 s24, s15;
	s19 =	simm.s32 $0x4;
	s23 =	simm.s32 $0x80  }
0x14: {  	s24 =	simm.s32 $0x14200;
	s0 =	sadd.s32 s7, s0;
	s7 =	sadd.s32 s2, s17  }
0x15: {  	s17 =	sadd.s32 s11, s21;
	s26 =	sshrl.u32 s16, $0x3;
	s18 =	sshrl.u32 s18, $0x3  }
.Ltmp0:
0x16: {  	s21 =	simm.s32 $0x14100;
	s9 =	sadd.s32 $0xACE00, s0;
	(pc) =	sbr.rel .LBB2_1-.Ltmp0, $4  }
0x17: {  	s0 =	sadd.s32 s11, s20;
	s22 =	sshrl.u32 s17, $0x3;
	s17 =	sadd.s32 s26, s2  }
0x18: {  	s20 =	simm.s32 $0x14000;
	s26 =	simm.s32 $0x14180;
	s0 =	sshrl.u32 s0, $0x3  }
0x19: {  	s13 =	sadd.s32 s2, s22;
	s11 =	sadd.s32 s2, s0;
	s0 =	sshrl.u32 s25, $0x3  }
0x1a: {  	s22 =	simm.s32 $0x1;
	s25 =	simm.s32 $0x14080;
	s16 =	sadd.s32 s0, s2  }
.LBB2_4:
0x1b: {  	_ =	swait.ge [sflag:s28], $0x4000  }
0x1c: {  	[sflag:s28] =	ssyncset.done $0x0  }
0x1d: {  	[sflag:s28] =	ssyncadd.s32 $0xFFFFC000  }
0x1e: {  	[spmem:s1] =	stream.indirect.scatter.add.f32 [tilespmem:s29], [sflag:$0x3], $0x80, s26, s23, $0xb8;
	[tilespmem:$0x1C200] =	vst v63  }
0x1f: {  	_ =	swait.ge [sflag:s30], $0x4000  }
0x20: {  	s31 =	sadd.s32 $0x1, s31;
	[sflag:s30] =	ssyncset.done $0x0  }
0x21: {  	p0 =	sne.s32 s31, s10;
	[sflag:s30] =	ssyncadd.s32 $0xFFFFC000  }
.Ltmp1:
0x22: {  	[bflag:$0x0] =	sbarrier.arrive $0xFFFF;
	(pc) =	sbr.rel @!p0 .LBB2_5-.Ltmp1, $4  }
0x23: {  	[hbm:s9], [sflag:s6] =	dma.local [spmem:s18], $0x2800  }
0x24: {  	_ =	swait.ge [sflag:s19], $0x2800  }
0x25: {  	[sflag:s19] =	ssyncset.done $0x0  }
0x26: {  	[sflag:s19] =	ssyncadd.s32 $0xFFFFD800  }
.LBB2_1:
0x27: {  	s0 =	rddreg [dreg:$0x4]  }
0x28: {  	[spmem:s18], [sflag:s6] =	dma.local [hbm:s0], $0x2800  }
0x29: {  	_ =	swait.ge [sflag:s19], $0x2800  }
0x2a: {  	[sflag:s19] =	ssyncset.done $0x0  }
0x2b: {  	[sflag:s19] =	ssyncadd.s32 $0xFFFFD800  }
0x2c: {  	[bflag:$0x0] =	sbarrier.arrive $0xFFFF  }
0x2d: {  	[tilespmem:s20], [sflag:$0x1] =	stream.linear.gather [hbm4b:s7+s3], $0x80, $0x38;
	[tilespmem:$0x1C200] =	vst v63  }
0x2e: {  	_ = 	snop  }
0x2f: {  	[tilespmem:s21], [sflag:$0x1] =	stream.linear.gather [hbm4b:s8+s3], $0x80, $0x38;
	[tilespmem:$0x1C200] =	vst v63  }
0x30: {  	_ =	swait.ge [sflag:s22], $0x80  }
0x31: {  	[sflag:s22] =	ssyncset.done $0x0  }
0x32: {  	[sflag:s22] =	ssyncadd.s32 $0xFFFFFF80  }
0x33: {  	_ =	swait.ge [sflag:s22], $0x80  }
0x34: {  	[sflag:s22] =	ssyncset.done $0x0  }
0x35: {  	[sflag:s22] =	ssyncadd.s32 $0xFFFFFF80  }
0x36: {  	[tilespmem:s24], [sflag:$0x2] =	stream.indirect.gather [hbm4b:s4+s23], $0x80, s20, s23, $0xb8;
	[tilespmem:$0x1C200] =	vst v63  }
0x37: {  	_ = 	snop  }
0x38: {  	[tilespmem:s25], [sflag:$0x1] =	stream.linear.gather [hbm4b:s11+s3], $0x80, $0x38;
	[tilespmem:$0x1C200] =	vst v63  }
0x39: {  	_ = 	snop  }
0x3a: {  	[tilespmem:s26], [sflag:$0x1] =	stream.linear.gather [hbm4b:s12+s3], $0x80, $0x38;
	[tilespmem:$0x1C200] =	vst v63  }
0x3b: {  	_ =	swait.ge [sflag:s28], $0x4000  }
0x3c: {  	[sflag:s28] =	ssyncset.done $0x0  }
0x3d: {  	[sflag:s28] =	ssyncadd.s32 $0xFFFFC000  }
0x3e: {  	[spmem:s1] =	stream.indirect.scatter.add.f32 [tilespmem:s24], [sflag:$0x3], $0x80, s21, s23, $0xb8;
	[tilespmem:$0x1C200] =	vst v63  }
0x3f: {  	_ =	swait.ge [sflag:s22], $0x80  }
0x40: {  	[sflag:s22] =	ssyncset.done $0x0  }
0x41: {  	[sflag:s22] =	ssyncadd.s32 $0xFFFFFF80  }
0x42: {  	_ =	swait.ge [sflag:s22], $0x80  }
0x43: {  	[sflag:s22] =	ssyncset.done $0x0  }
0x44: {  	[sflag:s22] =	ssyncadd.s32 $0xFFFFFF80  }
0x45: {  	[tilespmem:s29], [sflag:$0x2] =	stream.indirect.gather [hbm4b:s4+s23], $0x80, s25, s23, $0xb8;
	[tilespmem:$0x1C200] =	vst v63  }
0x46: {  	_ =	swait.ge [sflag:s30], $0x4000  }
0x47: {  	[sflag:s30] =	ssyncset.done $0x0  }
0x48: {  	[sflag:s30] =	ssyncadd.s32 $0xFFFFC000  }
0x49: {  	[tilespmem:s20], [sflag:$0x1] =	stream.linear.gather [hbm4b:s13+s3], $0x80, $0x38;
	[tilespmem:$0x1C200] =	vst v63  }
0x4a: {  	_ = 	snop  }
0x4b: {  	[tilespmem:s21], [sflag:$0x1] =	stream.linear.gather [hbm4b:s14+s3], $0x80, $0x38;
	[tilespmem:$0x1C200] =	vst v63  }
0x4c: {  	_ =	swait.ge [sflag:s28], $0x4000  }
0x4d: {  	[sflag:s28] =	ssyncset.done $0x0  }
0x4e: {  	[sflag:s28] =	ssyncadd.s32 $0xFFFFC000  }
0x4f: {  	[spmem:s1] =	stream.indirect.scatter.add.f32 [tilespmem:s29], [sflag:$0x3], $0x80, s26, s23, $0xb8;
	[tilespmem:$0x1C200] =	vst v63  }
0x50: {  	_ =	swait.ge [sflag:s22], $0x80  }
0x51: {  	[sflag:s22] =	ssyncset.done $0x0  }
0x52: {  	[sflag:s22] =	ssyncadd.s32 $0xFFFFFF80  }
0x53: {  	_ =	swait.ge [sflag:s22], $0x80  }
0x54: {  	[sflag:s22] =	ssyncset.done $0x0  }
0x55: {  	s0 =	simm.s32 $0x0;
	[sflag:s22] =	ssyncadd.s32 $0xFFFFFF80  }
0x56: {  	[tilespmem:s24], [sflag:$0x2] =	stream.indirect.gather [hbm4b:s4+s23], $0x80, s20, s23, $0xb8;
	[tilespmem:$0x1C200] =	vst v63  }
.LBB2_2:
0x57: {  	_ =	swait.ge [sflag:s30], $0x4000  }
0x58: {  	[sflag:s30] =	ssyncset.done $0x0  }
0x59: {  	s2 =	sadd.s32 s0, s17;
	[sflag:s30] =	ssyncadd.s32 $0xFFFFC000  }
0x5a: {  	[tilespmem:s25], [sflag:$0x1] =	stream.linear.gather [hbm4b:s2+s3], $0x80, $0x38;
	[tilespmem:$0x1C200] =	vst v63  }
0x5b: {  	s2 =	sadd.s32 s0, s15  }
0x5c: {  	s5 =	sadd.s32 $0x30, s2  }
0x5d: {  	[tilespmem:s26], [sflag:$0x1] =	stream.linear.gather [hbm4b:s5+s3], $0x80, $0x38;
	[tilespmem:$0x1C200] =	vst v63  }
0x5e: {  	_ =	swait.ge [sflag:s28], $0x4000  }
0x5f: {  	[sflag:s28] =	ssyncset.done $0x0  }
0x60: {  	[sflag:s28] =	ssyncadd.s32 $0xFFFFC000  }
0x61: {  	[spmem:s1] =	stream.indirect.scatter.add.f32 [tilespmem:s24], [sflag:$0x3], $0x80, s21, s23, $0xb8;
	[tilespmem:$0x1C200] =	vst v63  }
0x62: {  	_ =	swait.ge [sflag:s22], $0x80  }
0x63: {  	[sflag:s22] =	ssyncset.done $0x0  }
0x64: {  	[sflag:s22] =	ssyncadd.s32 $0xFFFFFF80  }
0x65: {  	_ =	swait.ge [sflag:s22], $0x80  }
0x66: {  	p0 =	seq.s32 s0, $0x4C0;
	[sflag:s22] =	ssyncset.done $0x0  }
.Ltmp2:
0x67: {  	[sflag:s22] =	ssyncadd.s32 $0xFFFFFF80;
	(pc) =	sbr.rel @p0 .LBB2_4-.Ltmp2, $4  }
0x68: {  	[tilespmem:s29], [sflag:$0x2] =	stream.indirect.gather [hbm4b:s4+s23], $0x80, s25, s23, $0xb8;
	[tilespmem:$0x1C200] =	vst v63  }
0x69: {  	_ =	swait.ge [sflag:s30], $0x4000  }
0x6a: {  	[sflag:s30] =	ssyncset.done $0x0  }
0x6b: {  	[sflag:s30] =	ssyncadd.s32 $0xFFFFC000  }
0x6c: {  	s5 =	sadd.s32 s0, s16  }
0x6d: {  	[tilespmem:s20], [sflag:$0x1] =	stream.linear.gather [hbm4b:s5+s3], $0x80, $0x38;
	[tilespmem:$0x1C200] =	vst v63  }
0x6e: {  	s2 =	sadd.s32 $0x40, s2  }
0x6f: {  	[tilespmem:s21], [sflag:$0x1] =	stream.linear.gather [hbm4b:s2+s3], $0x80, $0x38;
	[tilespmem:$0x1C200] =	vst v63  }
0x70: {  	_ =	swait.ge [sflag:s28], $0x4000  }
0x71: {  	[sflag:s28] =	ssyncset.done $0x0  }
0x72: {  	[sflag:s28] =	ssyncadd.s32 $0xFFFFC000  }
0x73: {  	[spmem:s1] =	stream.indirect.scatter.add.f32 [tilespmem:s29], [sflag:$0x3], $0x80, s26, s23, $0xb8;
	[tilespmem:$0x1C200] =	vst v63  }
0x74: {  	_ =	swait.ge [sflag:s22], $0x80  }
0x75: {  	[sflag:s22] =	ssyncset.done $0x0  }
.Ltmp3:
0x76: {  	[sflag:s22] =	ssyncadd.s32 $0xFFFFFF80;
	(pc) =	sbr.rel .LBB2_2-.Ltmp3, $4  }
0x77: {  	_ =	swait.ge [sflag:s22], $0x80  }
0x78: {  	[sflag:s22] =	ssyncset.done $0x0  }
0x79: {  	s0 =	sadd.s32 $0x20, s0;
	[sflag:s22] =	ssyncadd.s32 $0xFFFFFF80  }
0x7a: {  	[tilespmem:s24], [sflag:$0x2] =	stream.indirect.gather [hbm4b:s4+s23], $0x80, s20, s23, $0xb8;
	[tilespmem:$0x1C200] =	vst v63  }
.LBB2_5:
0x7b: {  	_ =	sfence.sel $0x180000  }
0x7c: {  	[bflag:$0x0] =	sbarrier.arrive $0xFFFF  }
0x7d: {  	_ =	strace $0x9000004A  }
0x7e: {  	s0 =	stileid.u32;
	[bflag:$0x2] =	sbarrier.arrive $0xFFFF  }
0x7f: {  	p0 =	sne.s32 s0, $0x0;
	s0 =	rddreg [dreg:$0x3]  }
0x80: {  	s0 =	sadd.s32 @!p0 $0x100000, s0  }
0x81: {  	[sflag:s0] =	ssyncadd.tile.s32 @!p0 $0x1;
	_ =	shalt  }
.Lfunc_end2:
_tile_overlayer_lowered:
.L_overlay_start_2:
0x82: {  	(tag) =	ssettag $0x2  }
0x83: {  	s0 =	rddreg [dreg:$0x0];
	s2 =	stileid.u32  }
0x84: {  	s1 =	rddreg [dreg:$0x1];
	p0 =	sne.s32 s2, $0x0  }
0x85: {  	s3 =	rddreg [dreg:$0x2];
	[bflag:$0x3] =	sbarrier.arrive $0xFFFF;
	s2 =	simm.s32 @!p0 $0x1C04  }
0x86: {  	[timem:s3], [sflag:s2] =	dma.local @!p0 [hbm:s0], s1  }
0x87: {  	s0 =	simm.s32 @!p0 $0x4  }
0x88: {  	_ =	swait.ge @!p0 [sflag:s0], s1  }
0x89: {  	s1 =	ssub.s32 @!p0 $0x0, s1;
	[sflag:s0] =	ssyncset.done @!p0 $0x0  }
0x8a: {  	[sflag:s0] =	ssyncadd.s32 @!p0 s1  }
0x8b: {  	[bflag:$0x3] =	sbarrier.arrive $0xFFFF  }
0x8c: {  	_ =	shalt  }

// kernel: kernel.14.cloned.1.call-start
scs
__scs_entry_jumppad:
0x0: {  	(pc) =	sbr.rel $0x88, $3  }
0x1: {  	(tag) =	ssettag $0x0;
	lr =	simm.s32 $0x1  }
0x2: {  	[smem:$0x3F9B] =	sst lr;
	_ =	strace $0xD0000000  }
0x3: {  	_ = 	snop  }
0x4: {  	_ = 	snop  }
0x5: {  	_ = 	snop  }
0x6: {  	_ = 	snop  }
0x7: {  	_ = 	snop  }
__scs_overlays_trampoline_lowered:
0x8: {  	[smem:$0x3FAA] =	sst s0  }
0x9: {  	[smem:$0x3FAB] =	sst s1  }
0xa: {  	[smem:$0x3FAC] =	sst s2  }
0xb: {  	[smem:$0x3FAD] =	sst s3  }
0xc: {  	[smem:$0x3FAE] =	sst s4  }
0xd: {  	[smem:$0x3FAF] =	sst s5  }
0xe: {  	[smem:$0x3FB0] =	sst s6  }
0xf: {  	[smem:$0x3FB1] =	sst s7  }
0x10: {  	[smem:$0x3FB2] =	sst s8  }
0x11: {  	[smem:$0x3FB3] =	sst s9;
	s0 =	simm.s32 @!p0 $0x0  }
0x12: {  	s1 =	sld [smem:$0x3F99];
	s0 =	simm.s32 @p0 $0x1  }
0x13: {  	[smem:$0x3FB4] =	sst s0;
	s0 =	simm.s32 @!p1 $0x0  }
0x14: {  	s2 =	sld [smem:$0x3F98];
	s0 =	simm.s32 @p1 $0x1  }
0x15: {  	[smem:$0x3FB5] =	sst s0;
	s0 =	simm.s32 @!p2 $0x0  }
0x16: {  	s3 =	sld [smem:$0x3FDB];
	s0 =	simm.s32 @p2 $0x1  }
0x17: {  	s4 =	simm.s32 $0x1BF5;
	[smem:$0x3FB7] =	sst s0  }
0x18: {  	s0 =	sld [smem:$0x3F9A];
	_ =	swait.ge [sflag:s4], $0x0  }
0x19: {  	s7 =	sld [smem:$0x3F9B]  }
0x1a: {  	s8 =	sadd.s32 $0xFFFFE003, lr  }
0x1b: {  	s9 =	sadd.s32 $0xFFFFFEF7, lr;
	s5 =	simm.s32 $0xFFFFFFFF;
	p2 =	slt.u32 s8, $0xFFFFF086  }
0x1c: {  	p1 =	slt.u32 s9, $0xF7A;
	s5 =	simm.s32 @!p2 $0x0  }
0x1d: {  	s5 =	simm.s32 @p1 $0x1;
	p0 =	seq.s32 s7, s2  }
0x1e: {  	s7 =	smul.u32 @!p0 $0xF7A, s2;
	p2 =	seq.s32 @!p0 s5, $0x0  }
0x1f: {  	s9 =	smul.u32 $0xF7A, s1;
	s8 =	simm.s32 @!p0 $0x1BF5;
	p2 =	por !p2, p0  }
0x20: {  	[sflag:s8] =	ssyncset.s32 @!p0 $0xFFFFF086;
	s6 =	sadd.s32 @!p0 s3, s7;
	s7 =	simm.s32 @!p0 $0x108  }
0x21: {  	s3 =	sadd.s32 s3, s9;
	s6 =	sadd.s32 @!p0 $0x88, s6;
	s7 =	simm.s32 @p2 $0x1082  }
0x22: {  	[simem:s7], [sflag:s8] =	dma.local @!p0 [hbm:s6], $0xF7A  }
0x23: {  	s9 =	sor.u32 $0xD0000000, s2;
	s6 =	simm.s32 $0x108;
	_ =	swait.ge @!p0 [sflag:s8], $0x0  }
0x24: {  	s3 =	sadd.s32 $0x88, s3;
	s6 =	simm.s32 @!p1 $0x1082;
	[sflag:s4] =	ssyncset.s32 $0xFFFFF086  }
0x25: {  	[simem:s6], [sflag:s4] =	dma.local [hbm:s3], $0xF7A  }
0x26: {  	[smem:$0x3F9B] =	sst s1;
	(tag) =	ssettag s2;
	_ =	strace s9  }
0x27: {  	s1 =	sld [smem:$0x3FAB]  }
0x28: {  	s2 =	sld [smem:$0x3FAC]  }
0x29: {  	s4 =	sld [smem:$0x3FAE]  }
0x2a: {  	p0 =	seq.s32 s5, $0x0;
	s5 =	sld [smem:$0x3FAF]  }
0x2b: {  	s6 =	sld [smem:$0x3FB0]  }
0x2c: {  	s7 =	sld [smem:$0x3FB1]  }
0x2d: {  	s3 =	simm.s32 $0x108;
	s8 =	sld [smem:$0x3FB2]  }
0x2e: {  	s3 =	simm.s32 @!p0 $0x1082;
	s9 =	sld [smem:$0x3FB3]  }
0x2f: {  	lr =	sadd.s32 s0, s3;
	s0 =	sld [smem:$0x3FAA]  }
0x30: {  	s3 =	sld [smem:$0x3FAD]  }
0x31: {  	[smem:$0x3FB6] =	sst s10  }
0x32: {  	s10 =	sld [smem:$0x3FB4];
	_ =	sdelay $0x3  }
0x33: {  	p0 =	seq.s32 s10, $0x1;
	s10 =	sld [smem:$0x3FB6];
	_ =	sdelay $0x3  }
0x34: {  	[smem:$0x3FB6] =	sst s10  }
0x35: {  	s10 =	sld [smem:$0x3FB5];
	_ =	sdelay $0x3  }
0x36: {  	p1 =	seq.s32 s10, $0x1;
	s10 =	sld [smem:$0x3FB6];
	_ =	sdelay $0x3  }
0x37: {  	[smem:$0x3FB6] =	sst s10  }
0x38: {  	s10 =	sld [smem:$0x3FB7]  }
0x39: {  	_ = 	snop;
	(pc) =	sbr.ind lr, $3  }
0x3a: {  	_ = 	snop  }
0x3b: {  	_ = 	snop  }
0x3c: {  	p2 =	seq.s32 s10, $0x1;
	s10 =	sld [smem:$0x3FB6]  }
0x3d: {  	_ =	shalt  }
0x3e: {  	_ =	shalt  }
0x3f: {  	_ =	shalt  }
0x40: {  	_ =	shalt  }
0x41: {  	_ =	shalt  }
0x42: {  	_ =	shalt  }
0x43: {  	_ =	shalt  }
0x44: {  	_ =	shalt  }
0x45: {  	_ =	shalt  }
0x46: {  	_ =	shalt  }
0x47: {  	_ =	shalt  }
0x48: {  	_ =	shalt  }
0x49: {  	_ =	shalt  }
0x4a: {  	_ =	shalt  }
0x4b: {  	_ =	shalt  }
0x4c: {  	_ =	shalt  }
0x4d: {  	_ =	shalt  }
0x4e: {  	_ =	shalt  }
0x4f: {  	_ =	shalt  }
0x50: {  	_ =	shalt  }
0x51: {  	_ =	shalt  }
0x52: {  	_ =	shalt  }
0x53: {  	_ =	shalt  }
0x54: {  	_ =	shalt  }
0x55: {  	_ =	shalt  }
0x56: {  	_ =	shalt  }
0x57: {  	_ =	shalt  }
0x58: {  	_ =	shalt  }
0x59: {  	_ =	shalt  }
0x5a: {  	_ =	shalt  }
0x5b: {  	_ =	shalt  }
0x5c: {  	_ =	shalt  }
0x5d: {  	_ =	shalt  }
0x5e: {  	_ =	shalt  }
0x5f: {  	_ =	shalt  }
0x60: {  	_ =	shalt  }
0x61: {  	_ =	shalt  }
0x62: {  	_ =	shalt  }
0x63: {  	_ =	shalt  }
0x64: {  	_ =	shalt  }
0x65: {  	_ =	shalt  }
0x66: {  	_ =	shalt  }
0x67: {  	_ =	shalt  }
0x68: {  	_ =	shalt  }
0x69: {  	_ =	shalt  }
0x6a: {  	_ =	shalt  }
0x6b: {  	_ =	shalt  }
0x6c: {  	_ =	shalt  }
0x6d: {  	_ =	shalt  }
0x6e: {  	_ =	shalt  }
0x6f: {  	_ =	shalt  }
0x70: {  	_ =	shalt  }
0x71: {  	_ =	shalt  }
0x72: {  	_ =	shalt  }
0x73: {  	_ =	shalt  }
0x74: {  	_ =	shalt  }
0x75: {  	_ =	shalt  }
0x76: {  	_ =	shalt  }
0x77: {  	_ =	shalt  }
0x78: {  	_ =	shalt  }
0x79: {  	_ =	shalt  }
0x7a: {  	_ =	shalt  }
0x7b: {  	_ =	shalt  }
0x7c: {  	_ =	shalt  }
0x7d: {  	_ =	shalt  }
0x7e: {  	_ =	shalt  }
0x7f: {  	_ =	shalt  }
0x80: {  	_ =	shalt  }
0x81: {  	_ =	shalt  }
0x82: {  	_ =	shalt  }
0x83: {  	_ =	shalt  }
0x84: {  	_ =	shalt  }
0x85: {  	_ =	shalt  }
0x86: {  	_ =	shalt  }
0x87: {  	_ =	shalt  }
.Lfunc_end0:
.L_simem_size_0:
called_computation.2_lowered:
.L_overlay_start_0:
0x88: {  	s2 =	sld [smem:$0x3FD9]  }
0x89: {  	s3 =	sld [smem:$0x3FFE];
	_ =	sdelay $0x1  }
0x8a: {  	s1 =	srdreg.scid  }
0x8b: {  	s0 =	sand.u32 $0x1, s1  }
0x8c: {  	s17 =	sshll.u32 s0, $0xA;
	s2 =	sadd.s32 s3, s2  }
0x8d: {  	s2 =	sadd.s32 s2, s17  }
0x8e: {  	[smem:$0x3FC2] =	sst s2  }
0x8f: {  	_ = 	snop  }
0x90: {  	s2 =	sld [smem:$0x3FD0];
	(tm) =	ssettm $0x1  }
0x91: {  	s18 =	sld [smem:$0x3FFB];
	_ =	sdelay $0x3  }
0x92: {  	_ =	strace s18  }
0x93: {  	s3 =	sld [smem:$0x3FFC];
	_ =	sdelay $0x3  }
0x94: {  	_ =	strace s3  }
0x95: {  	s3 =	sld [smem:$0x3FFD];
	_ =	sdelay $0x3  }
0x96: {  	_ =	strace s3  }
0x97: {  	_ =	strace $0x8FFFFFFF  }
0x98: {  	s19 =	sld [smem:$0x3FDB];
	_ =	sdelay $0x1  }
0x99: {  	s4 =	simm.s32 $_scs_section_size  }
0x9a: {  	s5 =	simm.s32 $_size__tile_overlayer_lowered;
	s6 =	simm.s32 $_tile_overlayer_lowered  }
0x9b: {  	s22 =	simm.s32 $0x1BFF;
	s21 =	sshll.u32 s6, $0x1;
	s3 =	sadd.s32 s4, s19  }
0x9c: {  	s7 =	simm.s32 $0x0;
	s20 =	sshll.u32 s5, $0x1;
	s5 =	sadd.s32 s21, s3  }
0x9d: {  	[timem:s7], [sflag:s22] =	dma.local [hbm:s5], s20  }
0x9e: {  	_ =	swait.ge [sflag:s22], s20  }
0x9f: {  	s4 =	ssub.s32 $0x0, s20;
	[sflag:s22] =	ssyncset.done $0x0  }
0xa0: {  	[sflag:s22] =	ssyncadd.s32 s4;
	_ =	sdelay $0x1  }
0xa1: {  	s23 =	simm.s32 $0x1B8B  }
0xa2: {  	_ =	swait.ge [sflag:s23], $0x1  }
0xa3: {  	[sflag:s23] =	ssyncset.done $0x0  }
0xa4: {  	s25 =	simm.s32 $0x1B8E;
	s24 =	sld [smem:$0x3FFE];
	[sflag:s23] =	ssyncadd.s32 $0xFFFFFFFF  }
0xa5: {  	s26 =	simm.s32 $execute0_lowered;
	[smem:$0x3FD2] =	sst s25  }
0xa6: {  	s5 =	sshll.u32 s26, $0x1;
	_ =	strace $0x8000004C;
	[dreg:$0x1] =	wrdreg $0xFFFFFFFF  }
0xa7: {  	s28 =	simm.s32 $_size_execute0_lowered;
	s3 =	sadd.s32 s3, s5;
	[dreg:$0x0] =	wrdreg $0x0  }
0xa8: {  	s5 =	sshll.u32 s28, $0x1;
	[dreg:$0x2] =	wrdreg s3  }
0xa9: {  	[dreg:$0x3] =	wrdreg s5  }
0xaa: {  	[dreg:$0x4] =	wrdreg $0xC0  }
0xab: {  	_ =	task [dreg:s7], $0x5FFFF  }
0xac: {  	[dreg:$0x1] =	wrdreg $0xFFFFFFFF  }
0xad: {  	[dreg:$0x0] =	wrdreg $0x60  }
0xae: {  	[dreg:$0x2] =	wrdreg s2  }
0xaf: {  	[dreg:$0x3] =	wrdreg s24  }
0xb0: {  	[dreg:$0x4] =	wrdreg $0x0  }
0xb1: {  	[dreg:$0x5] =	wrdreg $0x9  }
0xb2: {  	_ =	task.clear_ibuf [dreg:s7], $0x6FFFF;
	_ =	strace $0x9000004C  }
0xb3: {  	s29 =	simm.s32 $0x9;
	_ =	strace $0x8000004E  }
0xb4: {  	_ =	swait.ge [sflag:s29], $0x1  }
0xb5: {  	[sflag:s29] =	ssyncadd.s32 $0xFFFFFFFF  }
0xb6: {  	_ =	strace $0x9000004E  }
0xb7: {  	_ =	sfence  }
0xb8: {  	s30 =	sld [smem:$0x0];
	_ =	sdelay $0x2  }
0xb9: {  	s31 =	sshll.u32 s1, $0xD;
	s1 =	sshrl.u32 s1, $0x2  }
0xba: {  	s3 =	sand.u32 $0x4000, s31;
	s1 =	sadd.s32 s1, s30  }
0xbb: {  	s0 =	sor.u32 s3, s0;
	s1 =	sshll.u32 s1, $0x11  }
0xbc: {  	s0 =	sor.u32 s1, s0  }
0xbd: {  	s0 =	sadd.s32 $0x8F2B, s0  }
0xbe: {  	[sflag:s0] =	ssyncadd.remote.s32 $0x1  }
0xbf: {  	_ =	sfence.sel $0xFFFF  }
0xc0: {  	[dreg:$0x0] =	wrdreg $0xFFFFFFFF;
	(pc) =	sbr.abs _section_cstart, $3  }
0xc1: {  	[dreg:$0x1] =	wrdreg $0xFFFFFFFF  }
0xc2: {  	_ =	task.clear_ibuf [dreg:s7], $0x2FFFF;
	_ =	strace $0x9FFFFFFF  }
0xc3: {  	(tm) =	ssettm $0x7FFFFFFF  }
tec
execute0_lowered:
.L_overlay_start_1:
0x0: {  	(tag) =	ssettag $0x1  }
0x1: {  	s1 =	rddreg [dreg:$0x0]  }
0x2: {  	s0 =	rddreg [dreg:$0x1]  }
0x3: {  	s2 =	rddreg [dreg:$0x2];
	s3 =	srdreg.scid  }
0x4: {  	s4 =	simm.s32 $0x0;
	s11 =	stileid.u32;
	s28 =	simm.s32 $0x14180  }
0x5: {  	s29 =	simm.s32 $0x2;
	s30 =	simm.s32 $0x18200;
	s31 =	simm.s32 $0x3  }
0x6: {  	s3 =	sand.u32 $0x1, s3;
	[smem:$0x7FF] =	sst s4;
	s6 =	smul.u32 $0x14000, s11  }
0x7: {  	s17 =	sadd.s32 $0x59C00, s0;
	s18 =	sadd.s32 $0x1C00, s0;
	s9 =	smul.u32 $0x50000, s11  }
0x8: {  	s20 =	sadd.s32 $0x7400, s0;
	s23 =	sshll.u32 s11, $0x6;
	s5 =	smul.u32 $0x140000, s3  }
0x9: {  	_ =	strace $0x8000004D;
	[dreg:$0x4] =	wrdreg s20;
	s7 =	sshll.u32 s3, $0x4  }
0xa: {  	s8 =	ssub.s32 $0x2, s3;
	s3 =	smul.u32 $0x280, s3;
	s20 =	simm.s32 $0x4  }
0xb: {  	s7 =	sor.u32 s11, s7;
	s21 =	sshrl.u32 s8, $0x1;
	s11 =	smul.u32 $0x28, s11  }
0xc: {  	s22 =	sshrl.u32 s9, $0x2;
	s6 =	sadd.s32 s6, s5;
	s13 =	smul.u32 $0x280, s7  }
0xd: {  	s10 =	ssub.s32 s8, s21;
	s19 =	sadd.s32 s22, s2;
	s21 =	simm.s32 $0x14000  }
0xe: {  	s22 =	simm.s32 $0x14100;
	s6 =	sshrl.u32 s6, $0x3;
	s3 =	sadd.s32 s11, s3  }
0xf: {  	s10 =	smax.u32 s10, $0x1;
	s19 =	sshrl.u32 s19, $0x3;
	s0 =	sadd.s32 s6, s0  }
0x10: {  	s6 =	sor.u32 $0x1C04, s23;
	s7 =	sadd.s32 s17, s13;
	s8 =	sadd.s32 s18, s13  }
0x11: {  	s24 =	sor.u32 $0x10, s13;
	s3 =	sshll.u32 s3, $0x4;
	s25 =	sor.u32 $0x20, s13  }
0x12: {  	s23 =	simm.s32 $0x1;
	s9 =	sadd.s32 $0x5EC00, s0;
	s11 =	sadd.s32 s17, s24  }
.Ltmp0:
0x13: {  	s12 =	sadd.s32 s18, s24;
	s16 =	sor.u32 $0x40, s3;
	(pc) =	sbr.rel .LBB2_1-.Ltmp0, $4  }
0x14: {  	s13 =	sadd.s32 s17, s25;
	s14 =	sadd.s32 s18, s25;
	s26 =	sadd.s32 s3, s17  }
0x15: {  	s3 =	sadd.s32 s3, s18;
	s24 =	simm.s32 $0x80;
	s25 =	simm.s32 $0x14200  }
0x16: {  	s0 =	simm.s32 $0x0;
	s15 =	sadd.s32 s16, s17;
	s16 =	sadd.s32 s16, s18  }
0x17: {  	s17 =	sadd.s32 $0x30, s26;
	s18 =	sadd.s32 $0x30, s3;
	s26 =	simm.s32 $0x14080  }
.LBB2_4:
0x18: {  	_ =	swait.ge [sflag:s29], $0x4000  }
0x19: {  	[sflag:s29] =	ssyncset.done $0x0  }
0x1a: {  	[sflag:s29] =	ssyncadd.s32 $0xFFFFC000  }
0x1b: {  	[spmem:s2] =	stream.indirect.scatter.add.f32 [tilespmem:s30], [sflag:$0x3], $0x80, s28, s24, $0xb8;
	[tilespmem:$0x1C200] =	vst v63  }
0x1c: {  	_ =	swait.ge [sflag:s31], $0x4000  }
0x1d: {  	s0 =	sadd.s32 $0x1, s0;
	[sflag:s31] =	ssyncset.done $0x0  }
0x1e: {  	p0 =	sne.s32 s0, s10;
	[sflag:s31] =	ssyncadd.s32 $0xFFFFC000  }
.Ltmp1:
0x1f: {  	[bflag:$0x0] =	sbarrier.arrive $0xFFFF;
	(pc) =	sbr.rel @!p0 .LBB2_5-.Ltmp1, $4  }
0x20: {  	[hbm:s9], [sflag:s6] =	dma.local [spmem:s19], $0x2800  }
0x21: {  	_ =	swait.ge [sflag:s20], $0x2800  }
0x22: {  	[sflag:s20] =	ssyncset.done $0x0  }
0x23: {  	[sflag:s20] =	ssyncadd.s32 $0xFFFFD800  }
.LBB2_1:
0x24: {  	s3 =	rddreg [dreg:$0x4]  }
0x25: {  	[spmem:s19], [sflag:s6] =	dma.local [hbm:s3], $0x2800  }
0x26: {  	_ =	swait.ge [sflag:s20], $0x2800  }
0x27: {  	[sflag:s20] =	ssyncset.done $0x0  }
0x28: {  	[sflag:s20] =	ssyncadd.s32 $0xFFFFD800  }
0x29: {  	[bflag:$0x0] =	sbarrier.arrive $0xFFFF  }
0x2a: {  	[tilespmem:s21], [sflag:$0x1] =	stream.linear.gather [hbm4b:s7+s4], $0x80, $0x38;
	[tilespmem:$0x1C200] =	vst v63  }
0x2b: {  	_ = 	snop  }
0x2c: {  	[tilespmem:s22], [sflag:$0x1] =	stream.linear.gather [hbm4b:s8+s4], $0x80, $0x38;
	[tilespmem:$0x1C200] =	vst v63  }
0x2d: {  	_ =	swait.ge [sflag:s23], $0x80  }
0x2e: {  	[sflag:s23] =	ssyncset.done $0x0  }
0x2f: {  	[sflag:s23] =	ssyncadd.s32 $0xFFFFFF80  }
0x30: {  	_ =	swait.ge [sflag:s23], $0x80  }
0x31: {  	[sflag:s23] =	ssyncset.done $0x0  }
0x32: {  	[sflag:s23] =	ssyncadd.s32 $0xFFFFFF80  }
0x33: {  	[tilespmem:s25], [sflag:$0x2] =	stream.indirect.gather [hbm4b:s1+s24], $0x80, s21, s24, $0xb8;
	[tilespmem:$0x1C200] =	vst v63  }
0x34: {  	_ = 	snop  }
0x35: {  	[tilespmem:s26], [sflag:$0x1] =	stream.linear.gather [hbm4b:s11+s4], $0x80, $0x38;
	[tilespmem:$0x1C200] =	vst v63  }
0x36: {  	_ = 	snop  }
0x37: {  	[tilespmem:s28], [sflag:$0x1] =	stream.linear.gather [hbm4b:s12+s4], $0x80, $0x38;
	[tilespmem:$0x1C200] =	vst v63  }
0x38: {  	_ =	swait.ge [sflag:s29], $0x4000  }
0x39: {  	[sflag:s29] =	ssyncset.done $0x0  }
0x3a: {  	[sflag:s29] =	ssyncadd.s32 $0xFFFFC000  }
0x3b: {  	[spmem:s2] =	stream.indirect.scatter.add.f32 [tilespmem:s25], [sflag:$0x3], $0x80, s22, s24, $0xb8;
	[tilespmem:$0x1C200] =	vst v63  }
0x3c: {  	_ =	swait.ge [sflag:s23], $0x80  }
0x3d: {  	[sflag:s23] =	ssyncset.done $0x0  }
0x3e: {  	[sflag:s23] =	ssyncadd.s32 $0xFFFFFF80  }
0x3f: {  	_ =	swait.ge [sflag:s23], $0x80  }
0x40: {  	[sflag:s23] =	ssyncset.done $0x0  }
0x41: {  	[sflag:s23] =	ssyncadd.s32 $0xFFFFFF80  }
0x42: {  	[tilespmem:s30], [sflag:$0x2] =	stream.indirect.gather [hbm4b:s1+s24], $0x80, s26, s24, $0xb8;
	[tilespmem:$0x1C200] =	vst v63  }
0x43: {  	_ =	swait.ge [sflag:s31], $0x4000  }
0x44: {  	[sflag:s31] =	ssyncset.done $0x0  }
0x45: {  	[sflag:s31] =	ssyncadd.s32 $0xFFFFC000  }
0x46: {  	[tilespmem:s21], [sflag:$0x1] =	stream.linear.gather [hbm4b:s13+s4], $0x80, $0x38;
	[tilespmem:$0x1C200] =	vst v63  }
0x47: {  	_ = 	snop  }
0x48: {  	[tilespmem:s22], [sflag:$0x1] =	stream.linear.gather [hbm4b:s14+s4], $0x80, $0x38;
	[tilespmem:$0x1C200] =	vst v63  }
0x49: {  	_ =	swait.ge [sflag:s29], $0x4000  }
0x4a: {  	[sflag:s29] =	ssyncset.done $0x0  }
0x4b: {  	[sflag:s29] =	ssyncadd.s32 $0xFFFFC000  }
0x4c: {  	[spmem:s2] =	stream.indirect.scatter.add.f32 [tilespmem:s30], [sflag:$0x3], $0x80, s28, s24, $0xb8;
	[tilespmem:$0x1C200] =	vst v63  }
0x4d: {  	_ =	swait.ge [sflag:s23], $0x80  }
0x4e: {  	[sflag:s23] =	ssyncset.done $0x0  }
0x4f: {  	[sflag:s23] =	ssyncadd.s32 $0xFFFFFF80  }
0x50: {  	_ =	swait.ge [sflag:s23], $0x80  }
0x51: {  	[sflag:s23] =	ssyncset.done $0x0  }
0x52: {  	s3 =	simm.s32 $0x0;
	[sflag:s23] =	ssyncadd.s32 $0xFFFFFF80  }
0x53: {  	[tilespmem:s25], [sflag:$0x2] =	stream.indirect.gather [hbm4b:s1+s24], $0x80, s21, s24, $0xb8;
	[tilespmem:$0x1C200] =	vst v63  }
.LBB2_2:
0x54: {  	_ =	swait.ge [sflag:s31], $0x4000  }
0x55: {  	[sflag:s31] =	ssyncset.done $0x0  }
0x56: {  	s5 =	sadd.s32 s3, s17;
	[sflag:s31] =	ssyncadd.s32 $0xFFFFC000  }
0x57: {  	[tilespmem:s26], [sflag:$0x1] =	stream.linear.gather [hbm4b:s5+s4], $0x80, $0x38;
	[tilespmem:$0x1C200] =	vst v63  }
0x58: {  	s5 =	sadd.s32 s3, s18  }
0x59: {  	[tilespmem:s28], [sflag:$0x1] =	stream.linear.gather [hbm4b:s5+s4], $0x80, $0x38;
	[tilespmem:$0x1C200] =	vst v63  }
0x5a: {  	_ =	swait.ge [sflag:s29], $0x4000  }
0x5b: {  	[sflag:s29] =	ssyncset.done $0x0  }
0x5c: {  	[sflag:s29] =	ssyncadd.s32 $0xFFFFC000  }
0x5d: {  	[spmem:s2] =	stream.indirect.scatter.add.f32 [tilespmem:s25], [sflag:$0x3], $0x80, s22, s24, $0xb8;
	[tilespmem:$0x1C200] =	vst v63  }
0x5e: {  	_ =	swait.ge [sflag:s23], $0x80  }
0x5f: {  	[sflag:s23] =	ssyncset.done $0x0  }
0x60: {  	[sflag:s23] =	ssyncadd.s32 $0xFFFFFF80  }
0x61: {  	_ =	swait.ge [sflag:s23], $0x80  }
0x62: {  	p0 =	seq.s32 s3, $0x240;
	[sflag:s23] =	ssyncset.done $0x0  }
.Ltmp2:
0x63: {  	[sflag:s23] =	ssyncadd.s32 $0xFFFFFF80;
	(pc) =	sbr.rel @p0 .LBB2_4-.Ltmp2, $4  }
0x64: {  	[tilespmem:s30], [sflag:$0x2] =	stream.indirect.gather [hbm4b:s1+s24], $0x80, s26, s24, $0xb8;
	[tilespmem:$0x1C200] =	vst v63  }
0x65: {  	_ =	swait.ge [sflag:s31], $0x4000  }
0x66: {  	[sflag:s31] =	ssyncset.done $0x0  }
0x67: {  	[sflag:s31] =	ssyncadd.s32 $0xFFFFC000  }
0x68: {  	s5 =	sadd.s32 s3, s15  }
0x69: {  	[tilespmem:s21], [sflag:$0x1] =	stream.linear.gather [hbm4b:s5+s4], $0x80, $0x38;
	[tilespmem:$0x1C200] =	vst v63  }
0x6a: {  	s5 =	sadd.s32 s3, s16  }
0x6b: {  	[tilespmem:s22], [sflag:$0x1] =	stream.linear.gather [hbm4b:s5+s4], $0x80, $0x38;
	[tilespmem:$0x1C200] =	vst v63  }
0x6c: {  	_ =	swait.ge [sflag:s29], $0x4000  }
0x6d: {  	[sflag:s29] =	ssyncset.done $0x0  }
0x6e: {  	[sflag:s29] =	ssyncadd.s32 $0xFFFFC000  }
0x6f: {  	[spmem:s2] =	stream.indirect.scatter.add.f32 [tilespmem:s30], [sflag:$0x3], $0x80, s28, s24, $0xb8;
	[tilespmem:$0x1C200] =	vst v63  }
0x70: {  	_ =	swait.ge [sflag:s23], $0x80  }
0x71: {  	[sflag:s23] =	ssyncset.done $0x0  }
.Ltmp3:
0x72: {  	[sflag:s23] =	ssyncadd.s32 $0xFFFFFF80;
	(pc) =	sbr.rel .LBB2_2-.Ltmp3, $4  }
0x73: {  	_ =	swait.ge [sflag:s23], $0x80  }
0x74: {  	[sflag:s23] =	ssyncset.done $0x0  }
0x75: {  	s3 =	sadd.s32 $0x20, s3;
	[sflag:s23] =	ssyncadd.s32 $0xFFFFFF80  }
0x76: {  	[tilespmem:s25], [sflag:$0x2] =	stream.indirect.gather [hbm4b:s1+s24], $0x80, s21, s24, $0xb8;
	[tilespmem:$0x1C200] =	vst v63  }
.LBB2_5:
0x77: {  	_ =	sfence.sel $0x180000  }
0x78: {  	[bflag:$0x0] =	sbarrier.arrive $0xFFFF  }
0x79: {  	_ =	strace $0x9000004D  }
0x7a: {  	s0 =	stileid.u32;
	[bflag:$0x2] =	sbarrier.arrive $0xFFFF  }
0x7b: {  	p0 =	sne.s32 s0, $0x0;
	s0 =	rddreg [dreg:$0x3]  }
0x7c: {  	s0 =	sadd.s32 @!p0 $0x100000, s0  }
0x7d: {  	[sflag:s0] =	ssyncadd.tile.s32 @!p0 $0x1;
	_ =	shalt  }
.Lfunc_end2:
_tile_overlayer_lowered:
.L_overlay_start_2:
0x7e: {  	(tag) =	ssettag $0x2  }
0x7f: {  	s0 =	rddreg [dreg:$0x0];
	s2 =	stileid.u32  }
0x80: {  	s1 =	rddreg [dreg:$0x1];
	p0 =	sne.s32 s2, $0x0  }
0x81: {  	s3 =	rddreg [dreg:$0x2];
	[bflag:$0x3] =	sbarrier.arrive $0xFFFF;
	s2 =	simm.s32 @!p0 $0x1C04  }
0x82: {  	[timem:s3], [sflag:s2] =	dma.local @!p0 [hbm:s0], s1  }
0x83: {  	s0 =	simm.s32 @!p0 $0x4  }
0x84: {  	_ =	swait.ge @!p0 [sflag:s0], s1  }
0x85: {  	s1 =	ssub.s32 @!p0 $0x0, s1;
	[sflag:s0] =	ssyncset.done @!p0 $0x0  }
0x86: {  	[sflag:s0] =	ssyncadd.s32 @!p0 s1  }
0x87: {  	[bflag:$0x3] =	sbarrier.arrive $0xFFFF  }
0x88: {  	_ =	shalt  }

// kernel: kernel.8.cloned.1.call-start
scs
__scs_entry_jumppad:
0x0: {  	(pc) =	sbr.rel $0x88, $3  }
0x1: {  	(tag) =	ssettag $0x0;
	lr =	simm.s32 $0x1  }
0x2: {  	[smem:$0x3F9B] =	sst lr;
	_ =	strace $0xD0000000  }
0x3: {  	_ = 	snop  }
0x4: {  	_ = 	snop  }
0x5: {  	_ = 	snop  }
0x6: {  	_ = 	snop  }
0x7: {  	_ = 	snop  }
__scs_overlays_trampoline_lowered:
0x8: {  	[smem:$0x3FAA] =	sst s0  }
0x9: {  	[smem:$0x3FAB] =	sst s1  }
0xa: {  	[smem:$0x3FAC] =	sst s2  }
0xb: {  	[smem:$0x3FAD] =	sst s3  }
0xc: {  	[smem:$0x3FAE] =	sst s4  }
0xd: {  	[smem:$0x3FAF] =	sst s5  }
0xe: {  	[smem:$0x3FB0] =	sst s6  }
0xf: {  	[smem:$0x3FB1] =	sst s7  }
0x10: {  	[smem:$0x3FB2] =	sst s8  }
0x11: {  	[smem:$0x3FB3] =	sst s9;
	s0 =	simm.s32 @!p0 $0x0  }
0x12: {  	s1 =	sld [smem:$0x3F99];
	s0 =	simm.s32 @p0 $0x1  }
0x13: {  	[smem:$0x3FB4] =	sst s0;
	s0 =	simm.s32 @!p1 $0x0  }
0x14: {  	s2 =	sld [smem:$0x3F98];
	s0 =	simm.s32 @p1 $0x1  }
0x15: {  	[smem:$0x3FB5] =	sst s0;
	s0 =	simm.s32 @!p2 $0x0  }
0x16: {  	s3 =	sld [smem:$0x3FDB];
	s0 =	simm.s32 @p2 $0x1  }
0x17: {  	s4 =	simm.s32 $0x1BF5;
	[smem:$0x3FB7] =	sst s0  }
0x18: {  	s0 =	sld [smem:$0x3F9A];
	_ =	swait.ge [sflag:s4], $0x0  }
0x19: {  	s7 =	sld [smem:$0x3F9B]  }
0x1a: {  	s8 =	sadd.s32 $0xFFFFE003, lr  }
0x1b: {  	s9 =	sadd.s32 $0xFFFFFEF7, lr;
	s5 =	simm.s32 $0xFFFFFFFF;
	p2 =	slt.u32 s8, $0xFFFFF086  }
0x1c: {  	p1 =	slt.u32 s9, $0xF7A;
	s5 =	simm.s32 @!p2 $0x0  }
0x1d: {  	s5 =	simm.s32 @p1 $0x1;
	p0 =	seq.s32 s7, s2  }
0x1e: {  	s7 =	smul.u32 @!p0 $0xF7A, s2;
	p2 =	seq.s32 @!p0 s5, $0x0  }
0x1f: {  	s9 =	smul.u32 $0xF7A, s1;
	s8 =	simm.s32 @!p0 $0x1BF5;
	p2 =	por !p2, p0  }
0x20: {  	[sflag:s8] =	ssyncset.s32 @!p0 $0xFFFFF086;
	s6 =	sadd.s32 @!p0 s3, s7;
	s7 =	simm.s32 @!p0 $0x108  }
0x21: {  	s3 =	sadd.s32 s3, s9;
	s6 =	sadd.s32 @!p0 $0x88, s6;
	s7 =	simm.s32 @p2 $0x1082  }
0x22: {  	[simem:s7], [sflag:s8] =	dma.local @!p0 [hbm:s6], $0xF7A  }
0x23: {  	s9 =	sor.u32 $0xD0000000, s2;
	s6 =	simm.s32 $0x108;
	_ =	swait.ge @!p0 [sflag:s8], $0x0  }
0x24: {  	s3 =	sadd.s32 $0x88, s3;
	s6 =	simm.s32 @!p1 $0x1082;
	[sflag:s4] =	ssyncset.s32 $0xFFFFF086  }
0x25: {  	[simem:s6], [sflag:s4] =	dma.local [hbm:s3], $0xF7A  }
0x26: {  	[smem:$0x3F9B] =	sst s1;
	(tag) =	ssettag s2;
	_ =	strace s9  }
0x27: {  	s1 =	sld [smem:$0x3FAB]  }
0x28: {  	s2 =	sld [smem:$0x3FAC]  }
0x29: {  	s4 =	sld [smem:$0x3FAE]  }
0x2a: {  	p0 =	seq.s32 s5, $0x0;
	s5 =	sld [smem:$0x3FAF]  }
0x2b: {  	s6 =	sld [smem:$0x3FB0]  }
0x2c: {  	s7 =	sld [smem:$0x3FB1]  }
0x2d: {  	s3 =	simm.s32 $0x108;
	s8 =	sld [smem:$0x3FB2]  }
0x2e: {  	s3 =	simm.s32 @!p0 $0x1082;
	s9 =	sld [smem:$0x3FB3]  }
0x2f: {  	lr =	sadd.s32 s0, s3;
	s0 =	sld [smem:$0x3FAA]  }
0x30: {  	s3 =	sld [smem:$0x3FAD]  }
0x31: {  	[smem:$0x3FB6] =	sst s10  }
0x32: {  	s10 =	sld [smem:$0x3FB4];
	_ =	sdelay $0x3  }
0x33: {  	p0 =	seq.s32 s10, $0x1;
	s10 =	sld [smem:$0x3FB6];
	_ =	sdelay $0x3  }
0x34: {  	[smem:$0x3FB6] =	sst s10  }
0x35: {  	s10 =	sld [smem:$0x3FB5];
	_ =	sdelay $0x3  }
0x36: {  	p1 =	seq.s32 s10, $0x1;
	s10 =	sld [smem:$0x3FB6];
	_ =	sdelay $0x3  }
0x37: {  	[smem:$0x3FB6] =	sst s10  }
0x38: {  	s10 =	sld [smem:$0x3FB7]  }
0x39: {  	_ = 	snop;
	(pc) =	sbr.ind lr, $3  }
0x3a: {  	_ = 	snop  }
0x3b: {  	_ = 	snop  }
0x3c: {  	p2 =	seq.s32 s10, $0x1;
	s10 =	sld [smem:$0x3FB6]  }
0x3d: {  	_ =	shalt  }
0x3e: {  	_ =	shalt  }
0x3f: {  	_ =	shalt  }
0x40: {  	_ =	shalt  }
0x41: {  	_ =	shalt  }
0x42: {  	_ =	shalt  }
0x43: {  	_ =	shalt  }
0x44: {  	_ =	shalt  }
0x45: {  	_ =	shalt  }
0x46: {  	_ =	shalt  }
0x47: {  	_ =	shalt  }
0x48: {  	_ =	shalt  }
0x49: {  	_ =	shalt  }
0x4a: {  	_ =	shalt  }
0x4b: {  	_ =	shalt  }
0x4c: {  	_ =	shalt  }
0x4d: {  	_ =	shalt  }
0x4e: {  	_ =	shalt  }
0x4f: {  	_ =	shalt  }
0x50: {  	_ =	shalt  }
0x51: {  	_ =	shalt  }
0x52: {  	_ =	shalt  }
0x53: {  	_ =	shalt  }
0x54: {  	_ =	shalt  }
0x55: {  	_ =	shalt  }
0x56: {  	_ =	shalt  }
0x57: {  	_ =	shalt  }
0x58: {  	_ =	shalt  }
0x59: {  	_ =	shalt  }
0x5a: {  	_ =	shalt  }
0x5b: {  	_ =	shalt  }
0x5c: {  	_ =	shalt  }
0x5d: {  	_ =	shalt  }
0x5e: {  	_ =	shalt  }
0x5f: {  	_ =	shalt  }
0x60: {  	_ =	shalt  }
0x61: {  	_ =	shalt  }
0x62: {  	_ =	shalt  }
0x63: {  	_ =	shalt  }
0x64: {  	_ =	shalt  }
0x65: {  	_ =	shalt  }
0x66: {  	_ =	shalt  }
0x67: {  	_ =	shalt  }
0x68: {  	_ =	shalt  }
0x69: {  	_ =	shalt  }
0x6a: {  	_ =	shalt  }
0x6b: {  	_ =	shalt  }
0x6c: {  	_ =	shalt  }
0x6d: {  	_ =	shalt  }
0x6e: {  	_ =	shalt  }
0x6f: {  	_ =	shalt  }
0x70: {  	_ =	shalt  }
0x71: {  	_ =	shalt  }
0x72: {  	_ =	shalt  }
0x73: {  	_ =	shalt  }
0x74: {  	_ =	shalt  }
0x75: {  	_ =	shalt  }
0x76: {  	_ =	shalt  }
0x77: {  	_ =	shalt  }
0x78: {  	_ =	shalt  }
0x79: {  	_ =	shalt  }
0x7a: {  	_ =	shalt  }
0x7b: {  	_ =	shalt  }
0x7c: {  	_ =	shalt  }
0x7d: {  	_ =	shalt  }
0x7e: {  	_ =	shalt  }
0x7f: {  	_ =	shalt  }
0x80: {  	_ =	shalt  }
0x81: {  	_ =	shalt  }
0x82: {  	_ =	shalt  }
0x83: {  	_ =	shalt  }
0x84: {  	_ =	shalt  }
0x85: {  	_ =	shalt  }
0x86: {  	_ =	shalt  }
0x87: {  	_ =	shalt  }
.Lfunc_end0:
.L_simem_size_0:
called_computation_lowered:
.L_overlay_start_0:
0x88: {  	s2 =	sld [smem:$0x3FD9]  }
0x89: {  	s3 =	sld [smem:$0x3FFE];
	_ =	sdelay $0x1  }
0x8a: {  	s1 =	srdreg.scid  }
0x8b: {  	s0 =	sand.u32 $0x1, s1  }
0x8c: {  	s16 =	sshll.u32 s0, $0xA;
	s2 =	sadd.s32 s3, s2  }
0x8d: {  	s2 =	sadd.s32 s2, s16  }
0x8e: {  	[smem:$0x3FC2] =	sst s2  }
0x8f: {  	_ = 	snop  }
0x90: {  	(tm) =	ssettm $0x1  }
0x91: {  	s17 =	sld [smem:$0x3FFB];
	_ =	sdelay $0x3  }
0x92: {  	_ =	strace s17  }
0x93: {  	s2 =	sld [smem:$0x3FFC];
	_ =	sdelay $0x3  }
0x94: {  	_ =	strace s2  }
0x95: {  	s2 =	sld [smem:$0x3FFD];
	_ =	sdelay $0x3  }
0x96: {  	_ =	strace s2  }
0x97: {  	_ =	strace $0x8FFFFFFF  }
0x98: {  	s18 =	sld [smem:$0x3FDB];
	_ =	sdelay $0x1  }
0x99: {  	s19 =	simm.s32 $_scs_section_size  }
0x9a: {  	s4 =	simm.s32 $_size__tile_overlayer_lowered;
	s5 =	simm.s32 $_tile_overlayer_lowered  }
0x9b: {  	s22 =	simm.s32 $0x1BFF;
	s21 =	sshll.u32 s5, $0x1;
	s2 =	sadd.s32 s19, s18  }
0x9c: {  	s6 =	simm.s32 $0x0;
	s20 =	sshll.u32 s4, $0x1;
	s4 =	sadd.s32 s21, s2  }
0x9d: {  	[timem:s6], [sflag:s22] =	dma.local [hbm:s4], s20  }
0x9e: {  	_ =	swait.ge [sflag:s22], s20  }
0x9f: {  	s3 =	ssub.s32 $0x0, s20;
	[sflag:s22] =	ssyncset.done $0x0  }
0xa0: {  	[sflag:s22] =	ssyncadd.s32 s3;
	_ =	sdelay $0x1  }
0xa1: {  	s23 =	simm.s32 $0x1B8B  }
0xa2: {  	_ =	swait.ge [sflag:s23], $0x1  }
0xa3: {  	[sflag:s23] =	ssyncset.done $0x0  }
0xa4: {  	s25 =	simm.s32 $0x1B8E;
	s24 =	sld [smem:$0x3FFE];
	[sflag:s23] =	ssyncadd.s32 $0xFFFFFFFF  }
0xa5: {  	s26 =	simm.s32 $execute0_lowered;
	[smem:$0x3FD2] =	sst s25  }
0xa6: {  	s4 =	sshll.u32 s26, $0x1;
	_ =	strace $0x80000046;
	[dreg:$0x1] =	wrdreg $0xFFFFFFFF  }
0xa7: {  	s28 =	simm.s32 $_size_execute0_lowered;
	s2 =	sadd.s32 s2, s4;
	[dreg:$0x0] =	wrdreg $0x0  }
0xa8: {  	s4 =	sshll.u32 s28, $0x1;
	[dreg:$0x2] =	wrdreg s2  }
0xa9: {  	[dreg:$0x3] =	wrdreg s4  }
0xaa: {  	[dreg:$0x4] =	wrdreg $0xC0  }
0xab: {  	_ =	task [dreg:s6], $0x5FFFF  }
0xac: {  	[dreg:$0x1] =	wrdreg $0xFFFFFFFF  }
0xad: {  	[dreg:$0x0] =	wrdreg $0x60  }
0xae: {  	[dreg:$0x2] =	wrdreg s24  }
0xaf: {  	[dreg:$0x3] =	wrdreg $0x0  }
0xb0: {  	[dreg:$0x4] =	wrdreg $0x9  }
0xb1: {  	_ =	task.clear_ibuf [dreg:s6], $0x5FFFF;
	_ =	strace $0x90000046  }
0xb2: {  	s29 =	simm.s32 $0x9;
	_ =	strace $0x80000048  }
0xb3: {  	_ =	swait.ge [sflag:s29], $0x1  }
0xb4: {  	[sflag:s29] =	ssyncadd.s32 $0xFFFFFFFF  }
0xb5: {  	_ =	strace $0x90000048  }
0xb6: {  	_ =	sfence  }
0xb7: {  	s30 =	sld [smem:$0x0];
	_ =	sdelay $0x2  }
0xb8: {  	s31 =	sshll.u32 s1, $0xD;
	s1 =	sshrl.u32 s1, $0x2  }
0xb9: {  	s3 =	sand.u32 $0x4000, s31;
	s1 =	sadd.s32 s1, s30  }
0xba: {  	s0 =	sor.u32 s3, s0;
	s1 =	sshll.u32 s1, $0x11  }
0xbb: {  	s0 =	sor.u32 s1, s0  }
0xbc: {  	s0 =	sadd.s32 $0x8F2B, s0  }
0xbd: {  	[sflag:s0] =	ssyncadd.remote.s32 $0x1  }
0xbe: {  	_ =	sfence.sel $0xFFFF  }
0xbf: {  	[dreg:$0x0] =	wrdreg $0xFFFFFFFF;
	(pc) =	sbr.abs _section_cstart, $3  }
0xc0: {  	[dreg:$0x1] =	wrdreg $0xFFFFFFFF  }
0xc1: {  	_ =	task.clear_ibuf [dreg:s6], $0x2FFFF;
	_ =	strace $0x9FFFFFFF  }
0xc2: {  	(tm) =	ssettm $0x7FFFFFFF  }
0xc3: {  	_ =	shalt  }
tec
execute0_lowered:
.L_overlay_start_1:
0x0: {  	(tag) =	ssettag $0x1  }
0x1: {  	s6 =	rddreg [dreg:$0x0]  }
0x2: {  	s2 =	rddreg [dreg:$0x1]  }
0x3: {  	s0 =	srdreg.scid;
	s1 =	rddreg [dreg:$0x2]  }
0x4: {  	s3 =	simm.s32 $0x0;
	s12 =	simm.s32 $0x14200;
	s13 =	simm.s32 $0x14000  }
0x5: {  	s14 =	simm.s32 $0x14080;
	s15 =	simm.s32 $0x14100;
	s7 =	sand.u32 $0x1, s0  }
0x6: {  	s16 =	simm.s32 $0x14180;
	s0 =	stileid.u32;
	s4 =	smul.u32 $0x14000, s7  }
0x7: {  	s17 =	simm.s32 $0x1;
	s18 =	simm.s32 $0x80;
	s5 =	smul.u32 $0x1400, s0  }
0x8: {  	s19 =	simm.s32 $0x2;
	[smem:$0x7FF] =	sst s3;
	s29 =	smul.u32 $0x140000, s7  }
0x9: {  	s20 =	simm.s32 $0x0;
	s8 =	smul.u32 $0x14000, s0;
	_ =	strace $0x80000047  }
0xa: {  	s10 =	smul.u32 $0x50000, s0;
	s7 =	ssub.s32 $0x2, s7;
	s31 =	sshll.u32 s0, $0x6  }
0xb: {  	s30 =	sshrl.u32 s7, $0x1;
	s4 =	sadd.s32 s5, s4;
	s8 =	sadd.s32 s8, s29  }
0xc: {  	s5 =	sadd.s32 $0x7400, s6;
	s10 =	sshrl.u32 s10, $0x2;
	s11 =	ssub.s32 s7, s30  }
0xd: {  	s4 =	sshrl.u32 s4, $0x3;
	s8 =	sshrl.u32 s8, $0x3;
	s10 =	sadd.s32 s10, s2  }
0xe: {  	s9 =	sadd.s32 s4, s6;
	s4 =	sadd.s32 $0x6C00, s6;
	s8 =	sadd.s32 s8, s6  }
0xf: {  	s6 =	sor.u32 $0x1C03, s31;
	s10 =	sshrl.u32 s10, $0x3;
	s7 =	sadd.s32 $0x9C00, s8  }
0x10: {  	s8 =	smax.u32 s11, $0x1;
	s9 =	sadd.s32 $0x1C00, s9;
	s11 =	simm.s32 $0x3  }
.LBB2_1:
0x11: {  	[spmem:s10], [sflag:s6] =	dma.local [hbm:s5], $0x2800  }
0x12: {  	_ =	swait.ge [sflag:s11], $0x2800  }
0x13: {  	[sflag:s11] =	ssyncset.done $0x0  }
0x14: {  	[sflag:s11] =	ssyncadd.s32 $0xFFFFD800  }
0x15: {  	[tilespmem:s12], [sflag:$0x3] =	stream.linear.gather [hbm4b:s4+s3], $0x4000, $0x38;
	[tilespmem:$0x18200] =	vst v63  }
0x16: {  	_ =	swait.ge [sflag:s11], $0x4000  }
0x17: {  	[sflag:s11] =	ssyncset.done $0x0  }
0x18: {  	[sflag:s11] =	ssyncadd.s32 $0xFFFFC000  }
0x19: {  	s21 =	sadd.s32 $0x0, s9;
	[bflag:$0x0] =	sbarrier.arrive $0xFFFF  }
0x1a: {  	[tilespmem:s13], [sflag:$0x1] =	stream.linear.gather [hbm4b:s21+s3], $0x80, $0x38;
	[tilespmem:$0x18200] =	vst v63  }
0x1b: {  	s22 =	sadd.s32 $0x10, s21  }
0x1c: {  	[tilespmem:s14], [sflag:$0x1] =	stream.linear.gather [hbm4b:s22+s3], $0x80, $0x38;
	[tilespmem:$0x18200] =	vst v63  }
0x1d: {  	s31 =	sadd.s32 $0x20, s21  }
0x1e: {  	[tilespmem:s15], [sflag:$0x1] =	stream.linear.gather [hbm4b:s31+s3], $0x80, $0x38;
	[tilespmem:$0x18200] =	vst v63  }
0x1f: {  	s21 =	sadd.s32 $0x30, s21  }
0x20: {  	[tilespmem:s16], [sflag:$0x1] =	stream.linear.gather [hbm4b:s21+s3], $0x80, $0x38;
	[tilespmem:$0x18200] =	vst v63  }
0x21: {  	_ =	swait.ge [sflag:s17], $0x80  }
0x22: {  	[sflag:s17] =	ssyncset.done $0x0  }
0x23: {  	[sflag:s17] =	ssyncadd.s32 $0xFFFFFF80  }
0x24: {  	[spmem:s2] =	stream.indirect.scatter.add.f32 [tilespmem:s12], [sflag:$0x2], $0x80, s13, s18, $0xb8;
	[tilespmem:$0x18200] =	vst v63  }
0x25: {  	_ =	swait.ge [sflag:s17], $0x80  }
0x26: {  	[sflag:s17] =	ssyncset.done $0x0  }
0x27: {  	[sflag:s17] =	ssyncadd.s32 $0xFFFFFF80  }
0x28: {  	[spmem:s2] =	stream.indirect.scatter.add.f32 [tilespmem:s12], [sflag:$0x2], $0x80, s14, s18, $0xb8;
	[tilespmem:$0x18200] =	vst v63  }
0x29: {  	_ =	swait.ge [sflag:s17], $0x80  }
0x2a: {  	[sflag:s17] =	ssyncset.done $0x0  }
0x2b: {  	[sflag:s17] =	ssyncadd.s32 $0xFFFFFF80  }
0x2c: {  	[spmem:s2] =	stream.indirect.scatter.add.f32 [tilespmem:s12], [sflag:$0x2], $0x80, s15, s18, $0xb8;
	[tilespmem:$0x18200] =	vst v63  }
0x2d: {  	_ =	swait.ge [sflag:s17], $0x80  }
0x2e: {  	[sflag:s17] =	ssyncset.done $0x0  }
0x2f: {  	[sflag:s17] =	ssyncadd.s32 $0xFFFFFF80  }
0x30: {  	[spmem:s2] =	stream.indirect.scatter.add.f32 [tilespmem:s12], [sflag:$0x2], $0x80, s16, s18, $0xb8;
	[tilespmem:$0x18200] =	vst v63  }
0x31: {  	_ =	swait.ge [sflag:s19], $0x4000  }
0x32: {  	[sflag:s19] =	ssyncset.done $0x0  }
0x33: {  	[sflag:s19] =	ssyncadd.s32 $0xFFFFC000  }
0x34: {  	_ =	swait.ge [sflag:s19], $0x4000  }
0x35: {  	[sflag:s19] =	ssyncset.done $0x0  }
0x36: {  	[sflag:s19] =	ssyncadd.s32 $0xFFFFC000  }
0x37: {  	_ =	swait.ge [sflag:s19], $0x4000  }
0x38: {  	[sflag:s19] =	ssyncset.done $0x0  }
0x39: {  	[sflag:s19] =	ssyncadd.s32 $0xFFFFC000  }
0x3a: {  	_ =	swait.ge [sflag:s19], $0x4000  }
0x3b: {  	s23 =	simm.s32 $0x80;
	s21 =	simm.s32 $0x40;
	[sflag:s19] =	ssyncset.done $0x0  }
.LBB2_2:
0x3c: {  	s24 =	sadd.s32 s21, s9  }
0x3d: {  	[sflag:s19] =	ssyncadd.s32 $0xFFFFC000;
	s21 =	smov.u32 s23;
	s22 =	sadd.s32 $0x40, s23  }
0x3e: {  	[tilespmem:s13], [sflag:$0x1] =	stream.linear.gather [hbm4b:s24+s3], $0x80, $0x38;
	[tilespmem:$0x18200] =	vst v63  }
0x3f: {  	p0 =	sne.s32 s23, $0x240;
	s23 =	sadd.s32 $0x10, s24  }
0x40: {  	[tilespmem:s14], [sflag:$0x1] =	stream.linear.gather [hbm4b:s23+s3], $0x80, $0x38;
	[tilespmem:$0x18200] =	vst v63  }
0x41: {  	s23 =	sadd.s32 $0x20, s24  }
0x42: {  	[tilespmem:s15], [sflag:$0x1] =	stream.linear.gather [hbm4b:s23+s3], $0x80, $0x38;
	[tilespmem:$0x18200] =	vst v63  }
0x43: {  	s23 =	sadd.s32 $0x30, s24  }
0x44: {  	[tilespmem:s16], [sflag:$0x1] =	stream.linear.gather [hbm4b:s23+s3], $0x80, $0x38;
	[tilespmem:$0x18200] =	vst v63  }
0x45: {  	_ =	swait.ge [sflag:s17], $0x80  }
0x46: {  	[sflag:s17] =	ssyncset.done $0x0  }
0x47: {  	[sflag:s17] =	ssyncadd.s32 $0xFFFFFF80  }
0x48: {  	[spmem:s2] =	stream.indirect.scatter.add.f32 [tilespmem:s12], [sflag:$0x2], $0x80, s13, s18, $0xb8;
	[tilespmem:$0x18200] =	vst v63  }
0x49: {  	_ =	swait.ge [sflag:s17], $0x80  }
0x4a: {  	[sflag:s17] =	ssyncset.done $0x0  }
0x4b: {  	[sflag:s17] =	ssyncadd.s32 $0xFFFFFF80  }
0x4c: {  	[spmem:s2] =	stream.indirect.scatter.add.f32 [tilespmem:s12], [sflag:$0x2], $0x80, s14, s18, $0xb8;
	[tilespmem:$0x18200] =	vst v63  }
0x4d: {  	_ =	swait.ge [sflag:s17], $0x80  }
0x4e: {  	[sflag:s17] =	ssyncset.done $0x0  }
0x4f: {  	[sflag:s17] =	ssyncadd.s32 $0xFFFFFF80  }
0x50: {  	[spmem:s2] =	stream.indirect.scatter.add.f32 [tilespmem:s12], [sflag:$0x2], $0x80, s15, s18, $0xb8;
	[tilespmem:$0x18200] =	vst v63  }
0x51: {  	_ =	swait.ge [sflag:s17], $0x80  }
0x52: {  	[sflag:s17] =	ssyncset.done $0x0  }
0x53: {  	[sflag:s17] =	ssyncadd.s32 $0xFFFFFF80  }
0x54: {  	[spmem:s2] =	stream.indirect.scatter.add.f32 [tilespmem:s12], [sflag:$0x2], $0x80, s16, s18, $0xb8;
	[tilespmem:$0x18200] =	vst v63  }
0x55: {  	_ =	swait.ge [sflag:s19], $0x4000  }
0x56: {  	[sflag:s19] =	ssyncset.done $0x0  }
0x57: {  	[sflag:s19] =	ssyncadd.s32 $0xFFFFC000  }
0x58: {  	_ =	swait.ge [sflag:s19], $0x4000  }
0x59: {  	[sflag:s19] =	ssyncset.done $0x0  }
0x5a: {  	[sflag:s19] =	ssyncadd.s32 $0xFFFFC000  }
.Ltmp0:
0x5b: {  	_ =	swait.ge [sflag:s19], $0x4000;
	(pc) =	sbr.rel @p0 .LBB2_2-.Ltmp0, $4  }
0x5c: {  	[sflag:s19] =	ssyncset.done $0x0  }
0x5d: {  	[sflag:s19] =	ssyncadd.s32 $0xFFFFC000  }
0x5e: {  	_ =	swait.ge [sflag:s19], $0x4000  }
0x5f: {  	s23 =	smov.u32 s22;
	[sflag:s19] =	ssyncset.done $0x0  }
0x60: {  	s21 =	sadd.s32 s21, s9;
	[sflag:s19] =	ssyncadd.s32 $0xFFFFC000  }
0x61: {  	[tilespmem:s13], [sflag:$0x1] =	stream.linear.gather [hbm4b:s21+s3], $0x80, $0x38;
	[tilespmem:$0x18200] =	vst v63  }
0x62: {  	s22 =	sadd.s32 $0x10, s21  }
0x63: {  	[tilespmem:s14], [sflag:$0x1] =	stream.linear.gather [hbm4b:s22+s3], $0x80, $0x38;
	[tilespmem:$0x18200] =	vst v63  }
0x64: {  	s31 =	sadd.s32 $0x20, s21  }
0x65: {  	[tilespmem:s15], [sflag:$0x1] =	stream.linear.gather [hbm4b:s31+s3], $0x80, $0x38;
	[tilespmem:$0x18200] =	vst v63  }
0x66: {  	s21 =	sadd.s32 $0x30, s21  }
0x67: {  	[tilespmem:s16], [sflag:$0x1] =	stream.linear.gather [hbm4b:s21+s3], $0x80, $0x38;
	[tilespmem:$0x18200] =	vst v63  }
0x68: {  	_ =	swait.ge [sflag:s17], $0x80  }
0x69: {  	[sflag:s17] =	ssyncset.done $0x0  }
0x6a: {  	[sflag:s17] =	ssyncadd.s32 $0xFFFFFF80  }
0x6b: {  	[spmem:s2] =	stream.indirect.scatter.add.f32 [tilespmem:s12], [sflag:$0x2], $0x80, s13, s18, $0xb8;
	[tilespmem:$0x18200] =	vst v63  }
0x6c: {  	_ =	swait.ge [sflag:s17], $0x80  }
0x6d: {  	[sflag:s17] =	ssyncset.done $0x0  }
0x6e: {  	[sflag:s17] =	ssyncadd.s32 $0xFFFFFF80  }
0x6f: {  	[spmem:s2] =	stream.indirect.scatter.add.f32 [tilespmem:s12], [sflag:$0x2], $0x80, s14, s18, $0xb8;
	[tilespmem:$0x18200] =	vst v63  }
0x70: {  	_ =	swait.ge [sflag:s17], $0x80  }
0x71: {  	[sflag:s17] =	ssyncset.done $0x0  }
0x72: {  	[sflag:s17] =	ssyncadd.s32 $0xFFFFFF80  }
0x73: {  	[spmem:s2] =	stream.indirect.scatter.add.f32 [tilespmem:s12], [sflag:$0x2], $0x80, s15, s18, $0xb8;
	[tilespmem:$0x18200] =	vst v63  }
0x74: {  	_ =	swait.ge [sflag:s17], $0x80  }
0x75: {  	[sflag:s17] =	ssyncset.done $0x0  }
0x76: {  	[sflag:s17] =	ssyncadd.s32 $0xFFFFFF80  }
0x77: {  	[spmem:s2] =	stream.indirect.scatter.add.f32 [tilespmem:s12], [sflag:$0x2], $0x80, s16, s18, $0xb8;
	[tilespmem:$0x18200] =	vst v63  }
0x78: {  	_ =	swait.ge [sflag:s19], $0x4000  }
0x79: {  	[sflag:s19] =	ssyncset.done $0x0  }
0x7a: {  	[sflag:s19] =	ssyncadd.s32 $0xFFFFC000  }
0x7b: {  	_ =	swait.ge [sflag:s19], $0x4000  }
0x7c: {  	[sflag:s19] =	ssyncset.done $0x0  }
0x7d: {  	[sflag:s19] =	ssyncadd.s32 $0xFFFFC000  }
0x7e: {  	_ =	swait.ge [sflag:s19], $0x4000  }
0x7f: {  	[sflag:s19] =	ssyncset.done $0x0  }
0x80: {  	[sflag:s19] =	ssyncadd.s32 $0xFFFFC000  }
0x81: {  	_ =	swait.ge [sflag:s19], $0x4000  }
0x82: {  	s20 =	sadd.s32 $0x1, s20;
	[sflag:s19] =	ssyncset.done $0x0  }
0x83: {  	p0 =	sne.s32 s20, s8;
	[sflag:s19] =	ssyncadd.s32 $0xFFFFC000  }
.Ltmp1:
0x84: {  	[bflag:$0x0] =	sbarrier.arrive $0xFFFF;
	(pc) =	sbr.rel @p0 .LBB2_1-.Ltmp1, $4  }
0x85: {  	[hbm:s7], [sflag:s6] =	dma.local [spmem:s10], $0x2800  }
0x86: {  	_ =	swait.ge [sflag:s11], $0x2800  }
0x87: {  	[sflag:s11] =	ssyncset.done $0x0  }
0x88: {  	[sflag:s11] =	ssyncadd.s32 $0xFFFFD800  }
0x89: {  	_ =	sfence.sel $0x180000  }
0x8a: {  	[bflag:$0x0] =	sbarrier.arrive $0xFFFF  }
0x8b: {  	p0 =	sne.s32 s0, $0x0;
	_ =	strace $0x90000047  }
0x8c: {  	s0 =	sadd.s32 @!p0 $0x100000, s1;
	[bflag:$0x2] =	sbarrier.arrive $0xFFFF  }
0x8d: {  	[sflag:s0] =	ssyncadd.tile.s32 @!p0 $0x1;
	_ =	shalt  }
.Lfunc_end2:
_tile_overlayer_lowered:
.L_overlay_start_2:
0x8e: {  	(tag) =	ssettag $0x2  }
0x8f: {  	s0 =	rddreg [dreg:$0x0];
	s2 =	stileid.u32  }
0x90: {  	s1 =	rddreg [dreg:$0x1];
	p0 =	sne.s32 s2, $0x0  }
0x91: {  	s3 =	rddreg [dreg:$0x2];
	[bflag:$0x3] =	sbarrier.arrive $0xFFFF;
	s2 =	simm.s32 @!p0 $0x1C03  }
0x92: {  	[timem:s3], [sflag:s2] =	dma.local @!p0 [hbm:s0], s1  }
0x93: {  	s0 =	simm.s32 @!p0 $0x3  }
0x94: {  	_ =	swait.ge @!p0 [sflag:s0], s1  }
0x95: {  	s1 =	ssub.s32 @!p0 $0x0, s1;
	[sflag:s0] =	ssyncset.done @!p0 $0x0  }
0x96: {  	[sflag:s0] =	ssyncadd.s32 @!p0 s1  }
0x97: {  	[bflag:$0x3] =	sbarrier.arrive $0xFFFF  }
0x98: {  	_ =	shalt  }

</sc_bundles>
